<compile_context>
chip_gen: v7x
topology: tpu7x:2x2x1
jax: 0.10.2.dev20260603
libtpu: 0.0.44.dev20260713+nightly
codegen_flags: <defaults>
</compile_context>

<pallas_src>
import functools

import jax
import jax.numpy as jnp
from jax import lax
from jax.experimental import pallas as pl
from jax.experimental.pallas import tpu as pltpu
from jax.experimental.pallas import tpu_sc as plsc

N_NODES = 10000
D = 128
N_EDGES = 320000
N_REL = 8
N_BASES = 4

NC = 2
NS = 16
LANES = 16
NW = NC * NS
EDGES_PER_W = N_EDGES // NW
CHUNK = 128
FULL_CHUNKS = EDGES_PER_W // CHUNK
TAIL = EDGES_PER_W - FULL_CHUNKS * CHUNK
ROWS_PER_SUB = 624
ROWS_TAIL = N_NODES - NS * ROWS_PER_SUB


_IDX_ROWS = N_EDGES // D
_IDX_BLK = 320


def _xw_body(att_ref, x_ref, basis_ref, et_ref, src_ref, root_ref, bias_ref,
             out_ref, idx_ref, self_ref):
    r = pl.program_id(0)
    w = (att_ref[r, 0] * basis_ref[0] + att_ref[r, 1] * basis_ref[1]
         + att_ref[r, 2] * basis_ref[2] + att_ref[r, 3] * basis_ref[3])
    out_ref[...] = jnp.dot(x_ref[...], w, preferred_element_type=jnp.float32)
    idx_ref[...] = et_ref[...] * N_NODES + src_ref[...]

    @pl.when(r == 0)
    def _selfloop():
        self_ref[...] = (
            jnp.dot(x_ref[...], root_ref[...],
                    preferred_element_type=jnp.float32) + bias_ref[...])


def _xw_table(att, x, basis, et2d, src2d, root, bias2d):
    return pl.pallas_call(
        _xw_body,
        grid=(N_REL,),
        in_specs=[
            pl.BlockSpec(memory_space=pltpu.SMEM),
            pl.BlockSpec((N_NODES, D), lambda r: (0, 0)),
            pl.BlockSpec((N_BASES, D, D), lambda r: (0, 0, 0)),
            pl.BlockSpec((_IDX_BLK, D), lambda r: (r, 0)),
            pl.BlockSpec((_IDX_BLK, D), lambda r: (r, 0)),
            pl.BlockSpec((D, D), lambda r: (0, 0)),
            pl.BlockSpec((1, D), lambda r: (0, 0)),
        ],
        out_specs=[
            pl.BlockSpec((N_NODES, D), lambda r: (r, 0)),
            pl.BlockSpec((_IDX_BLK, D), lambda r: (r, 0)),
            pl.BlockSpec((N_NODES, D), lambda r: (0, 0)),
        ],
        out_shape=[
            jax.ShapeDtypeStruct((N_REL * N_NODES, D), jnp.float32),
            jax.ShapeDtypeStruct((_IDX_ROWS, D), jnp.int32),
            jax.ShapeDtypeStruct((N_NODES, D), jnp.float32),
        ],
    )(att, x, basis, et2d, src2d, root, bias2d)


_MESH = plsc.VectorSubcoreMesh(core_axis_name="c", subcore_axis_name="s")


@functools.partial(
    pl.kernel,
    mesh=_MESH,
    out_type=jax.ShapeDtypeStruct((NC * N_NODES, D), jnp.float32),
    scratch_types=[
        pltpu.VMEM((EDGES_PER_W,), jnp.int32),
        pltpu.VMEM((CHUNK,), jnp.int32),
        pltpu.VMEM((CHUNK,), jnp.int32),
        pltpu.VMEM((CHUNK, D), jnp.float32),
        pltpu.VMEM((CHUNK, D), jnp.float32),
        pltpu.VMEM((TAIL,), jnp.int32),
        pltpu.VMEM((TAIL, D), jnp.float32),
        pltpu.VMEM_SHARED((N_NODES, D), jnp.float32),
        pltpu.SemaphoreType.DMA,
        pltpu.SemaphoreType.DMA,
        pltpu.SemaphoreType.DMA,
        pltpu.SemaphoreType.DMA,
    ],
)
def _sc_aggregate(xw_hbm, idx_hbm, dst_hbm, zeros_hbm, self_hbm, out_hbm,
                  idx_all, dstg0, dstg1, rows0, rows1,
                  dstgt, rows_t, acc_sh,
                  gsem0, gsem1, dsem0, dsem1):
    c = lax.axis_index("c")
    s = lax.axis_index("s")
    wid = c * NS + s
    base_w = wid * EDGES_PER_W

    dstg = (dstg0, dstg1)
    rows = (rows0, rows1)
    gsem = (gsem0, gsem1)
    dsem = (dsem0, dsem1)

    h_idx = pltpu.async_copy(idx_hbm.at[pl.ds(base_w, EDGES_PER_W)],
                             idx_all, gsem0)

    row0 = s * ROWS_PER_SUB

    @pl.when(c == 0)
    def _init_self():
        pltpu.sync_copy(self_hbm.at[pl.ds(row0, ROWS_PER_SUB)],
                        acc_sh.at[pl.ds(row0, ROWS_PER_SUB)])

        @pl.when(s == NS - 1)
        def _init_self_tail():
            pltpu.sync_copy(self_hbm.at[pl.ds(NS * ROWS_PER_SUB, ROWS_TAIL)],
                            acc_sh.at[pl.ds(NS * ROWS_PER_SUB, ROWS_TAIL)])

    @pl.when(c == 1)
    def _init_zero():
        pltpu.sync_copy(zeros_hbm,
                        acc_sh.at[pl.ds(row0, ROWS_PER_SUB)])

        @pl.when(s == NS - 1)
        def _init_zero_tail():
            pltpu.sync_copy(zeros_hbm.at[pl.ds(0, ROWS_TAIL)],
                            acc_sh.at[pl.ds(NS * ROWS_PER_SUB, ROWS_TAIL)])

    h_idx.wait()

    def fire(g, k):
        pltpu.async_copy(xw_hbm.at[idx_all.at[pl.ds(g * CHUNK, CHUNK)]],
                         rows[k], gsem[k])
        pltpu.async_copy(dst_hbm.at[pl.ds(base_w + g * CHUNK, CHUNK)],
                         dstg[k], dsem[k])

    def drain(g, k):
        pltpu.make_async_copy(xw_hbm.at[idx_all.at[pl.ds(g * CHUNK, CHUNK)]],
                              rows[k], gsem[k]).wait()
        pltpu.make_async_copy(dst_hbm.at[pl.ds(base_w + g * CHUNK, CHUNK)],
                              dstg[k], dsem[k]).wait()

    fire(0, 0)
    plsc.subcore_barrier()

    def pipe_body(i, carry):
        g0 = 2 * i
        fire(g0 + 1, 1)
        drain(g0, 0)
        pltpu.sync_copy(rows0, acc_sh.at[dstg0], add=True)

        @pl.when(i < FULL_CHUNKS // 2 - 1)
        def _refire():
            fire(g0 + 2, 0)

        drain(g0 + 1, 1)
        pltpu.sync_copy(rows1, acc_sh.at[dstg1], add=True)
        return carry

    lax.fori_loop(0, FULL_CHUNKS // 2, pipe_body, 0)

    t0 = FULL_CHUNKS * CHUNK
    pltpu.async_copy(dst_hbm.at[pl.ds(base_w + t0, TAIL)], dstgt,
                     dsem0).wait()
    pltpu.async_copy(xw_hbm.at[idx_all.at[pl.ds(t0, TAIL)]],
                     rows_t, gsem0).wait()
    pltpu.sync_copy(rows_t, acc_sh.at[dstgt], add=True)

    plsc.subcore_barrier()
    row0 = s * ROWS_PER_SUB
    pltpu.sync_copy(acc_sh.at[pl.ds(row0, ROWS_PER_SUB)],
                    out_hbm.at[pl.ds(c * N_NODES + row0, ROWS_PER_SUB)])

    @pl.when(s == NS - 1)
    def _write_tail():
        t0 = NS * ROWS_PER_SUB
        pltpu.sync_copy(acc_sh.at[pl.ds(t0, ROWS_TAIL)],
                        out_hbm.at[pl.ds(c * N_NODES + t0, ROWS_TAIL)])


_CBLK = 5000


def _combine_body(p0_ref, p1_ref, out_ref):
    out_ref[...] = p0_ref[...] + p1_ref[...]


def _combine(partials):
    nblk = N_NODES // _CBLK
    return pl.pallas_call(
        _combine_body,
        grid=(nblk,),
        in_specs=[
            pl.BlockSpec((_CBLK, D), lambda i: (i, 0)),
            pl.BlockSpec((_CBLK, D), lambda i, _n=nblk: (i + _n, 0)),
        ],
        out_specs=pl.BlockSpec((_CBLK, D), lambda i: (i, 0)),
        out_shape=jax.ShapeDtypeStruct((N_NODES, D), jnp.float32),
    )(partials, partials)


def kernel(x, edge_index, edge_type, basis, att, root, bias):
    src = edge_index[0].astype(jnp.int32)
    dst = edge_index[1].astype(jnp.int32)
    et = edge_type.astype(jnp.int32)
    xw, idx2d, selfloop = _xw_table(att, x, basis,
                                    et.reshape(-1, D), src.reshape(-1, D),
                                    root, bias.reshape(1, D))
    zeros = jnp.zeros((ROWS_PER_SUB, D), jnp.float32)
    partials = _sc_aggregate(xw, idx2d.reshape(-1), dst, zeros, selfloop)
    return _combine(partials)

# --- scband reference (transcript-rebuilt; emitter-appended) ---
"""Pipeline reference for scband-rgcnencoder-decoder-17995912970665 (READ-ONLY COPY).

The authoritative reference and input builder live on the scoring server;
editing this copy changes nothing except your own understanding.
"""

import jax, jax.numpy as jnp
import numpy as np

N, D_IN, D_OUT, E, R, B = 10000, 128, 128, 320000, 8, 4

def setup_inputs(seed: int = 0) -> dict:
    key = jax.random.key(seed)
    k1, k2, k3, k4, k5, k6, k7 = jax.random.split(key, 7)
    x = jax.random.normal(k1, (N, D_IN), dtype=jnp.float32)
    edge_index = jax.random.randint(k2, (2, E), 0, N)
    edge_type = jax.random.randint(k3, (E,), 0, R)
    # PyG inits.uniform(size, tensor): bound = 1/sqrt(size), size = num_bases * in_channels
    size = B * D_IN
    bound = 1.0 / np.sqrt(size)
    basis = jax.random.uniform(k4, (B, D_IN, D_OUT), minval=-bound, maxval=bound, dtype=jnp.float32)
    att = jax.random.uniform(k5, (R, B), minval=-bound, maxval=bound, dtype=jnp.float32)
    root = jax.random.uniform(k6, (D_IN, D_OUT), minval=-bound, maxval=bound, dtype=jnp.float32)
    bias = jax.random.uniform(k7, (D_OUT,), minval=-bound, maxval=bound, dtype=jnp.float32)
    return {"x": x, "edge_index": edge_index, "edge_type": edge_type,
            "basis": basis, "att": att, "root": root, "bias": bias}

def reference(x, edge_index, edge_type, basis, att, root, bias):
    # RGCNConv forward with basis decomposition (num_bases > 0), aggr='add'.
    # w[r] = sum_b att[r, b] * basis[b]  -> [R, D_IN, D_OUT]
    num_bases = basis.shape[0]
    w = jnp.matmul(att, basis.reshape(num_bases, -1)).reshape(att.shape[0], D_IN, D_OUT)
    # message: msg_e = x[src_e] @ w[edge_type_e]
    # computed as grouped per-relation transform (mathematically identical to per-edge bmm)
    xw = jnp.einsum('nd,rdo->rno', x, w)  # [R, N, D_OUT]
    src = edge_index[0]
    dst = edge_index[1]
    msgs = xw[edge_type, src]  # gather [E, D_OUT]
    # aggregate: scatter-add messages at destination nodes
    aggr = jnp.zeros((x.shape[0], D_OUT), dtype=x.dtype).at[dst].add(msgs)
    # update: self-loop transform + bias
    out = aggr + jnp.matmul(x, root) + bias
    return out

if __name__ == "__main__":
    import jax
    _d = setup_inputs()
    print(jax.jit(kernel)(*tuple(_d.values())))

</pallas_src>

<mosaic_0001>
#map = affine_map<(d0, d1) -> (0, 0)>
#map1 = affine_map<(d0, d1) -> (0)>
module attributes {stable_mosaic.version = 14 : i64} {
  func.func @_sc_aggregate(%arg0: i32, %arg1: i32, %arg2: memref<80000x128xf32, #tpu.memory_space<hbm>>, %arg3: memref<320000xi32, #tpu.memory_space<hbm>>, %arg4: memref<320000xi32, #tpu.memory_space<hbm>>, %arg5: memref<624x128xf32, #tpu.memory_space<hbm>>, %arg6: memref<10000x128xf32, #tpu.memory_space<hbm>>, %arg7: memref<20000x128xf32, #tpu.memory_space<hbm>>, %arg8: memref<10000xi32, #tpu.memory_space<vmem>>, %arg9: memref<128xi32, #tpu.memory_space<vmem>>, %arg10: memref<128xi32, #tpu.memory_space<vmem>>, %arg11: memref<128x128xf32, #tpu.memory_space<vmem>>, %arg12: memref<128x128xf32, #tpu.memory_space<vmem>>, %arg13: memref<16xi32, #tpu.memory_space<vmem>>, %arg14: memref<16x128xf32, #tpu.memory_space<vmem>>, %arg15: memref<10000x128xf32, #tpu.memory_space<vmem_shared>>, %arg16: memref<!tpu.dma_semaphore, #tpu.memory_space<semaphore_mem>>, %arg17: memref<!tpu.dma_semaphore, #tpu.memory_space<semaphore_mem>>, %arg18: memref<!tpu.dma_semaphore, #tpu.memory_space<semaphore_mem>>, %arg19: memref<!tpu.dma_semaphore, #tpu.memory_space<semaphore_mem>>) attributes {dimension_semantics = [#tpu.dimension_semantics<core_parallel>, #tpu.dimension_semantics<subcore_parallel>], iteration_bounds = array<i64: 2, 16>, scalar_prefetch = 0 : i64, scratch_operands = 12 : i64, tpu.core_type = #tpu.core_type<sc_vector_subcore>, window_params = [{transform_indices = #map}, {transform_indices = #map1}, {transform_indices = #map1}, {transform_indices = #map}, {transform_indices = #map}, {transform_indices = #map}]} {
    %mul3A = arith.constant 16 : i32
    %mul3A_0 = arith.muli %arg0, %mul3A : i32
    %add3A = arith.addi %mul3A_0, %arg1 : i32
    %mul3A_1 = arith.constant 10000 : i32
    %mul3A_2 = arith.muli %add3A, %mul3A_1 : i32
    %dma_start3A = tpu.memref_slice %arg3[%mul3A_2] : memref<320000xi32, #tpu.memory_space<hbm>> -> memref<10000xi32, #tpu.memory_space<hbm>>
    %dma_start3A_3 = tpu.memref_slice %arg3[%mul3A_2] : memref<320000xi32, #tpu.memory_space<hbm>> -> memref<10000xi32, #tpu.memory_space<hbm>>
    tpu.enqueue_dma source(%dma_start3A_3 : memref<10000xi32, #tpu.memory_space<hbm>>) target(%arg8 : memref<10000xi32, #tpu.memory_space<vmem>>) target_semaphore(%arg16 : memref<!tpu.dma_semaphore, #tpu.memory_space<semaphore_mem>>)
    %mul3A_4 = arith.constant 624 : i32
    %mul3A_5 = arith.muli %arg1, %mul3A_4 : i32
    %eq3A = arith.constant 0 : i32
    %eq3A_6 = arith.cmpi eq, %arg0, %eq3A : i32
    %convert_element_type3A = arith.extui %eq3A_6 : i1 to i32
    %cond3A = arith.constant 0 : i32
    %cond3A_7 = arith.cmpi ne, %convert_element_type3A, %cond3A : i32
    scf.if %cond3A_7 {
      "tpu.region"() ({
        %run_scoped3A = tpu.sem_alloc : memref<!tpu.dma_semaphore, #tpu.memory_space<semaphore_mem>>
        %dma_start3A_60 = arith.constant 0 : i32
        %dma_start3A_61 = tpu.memref_slice %arg15[%mul3A_5, %dma_start3A_60] : memref<10000x128xf32, #tpu.memory_space<vmem_shared>> -> memref<624x128xf32, #tpu.memory_space<vmem_shared>>
        %dma_start3A_62 = arith.constant 0 : i32
        %dma_start3A_63 = tpu.memref_slice %arg6[%mul3A_5, %dma_start3A_62] : memref<10000x128xf32, #tpu.memory_space<hbm>> -> memref<624x128xf32, #tpu.memory_space<hbm>>
        tpu.enqueue_dma source(%dma_start3A_63 : memref<624x128xf32, #tpu.memory_space<hbm>>) target(%dma_start3A_61 : memref<624x128xf32, #tpu.memory_space<vmem_shared>>) target_semaphore(%run_scoped3A : memref<!tpu.dma_semaphore, #tpu.memory_space<semaphore_mem>>)
        %dma_wait3A_64 = arith.constant 0 : i32
        %dma_wait3A_65 = tpu.memref_slice %arg15[%mul3A_5, %dma_wait3A_64] : memref<10000x128xf32, #tpu.memory_space<vmem_shared>> -> memref<624x128xf32, #tpu.memory_space<vmem_shared>>
        %dma_wait3A_66 = arith.constant 0 : i32
        %dma_wait3A_67 = tpu.memref_slice %arg6[%mul3A_5, %dma_wait3A_66] : memref<10000x128xf32, #tpu.memory_space<hbm>> -> memref<624x128xf32, #tpu.memory_space<hbm>>
        tpu.wait_dma2 semaphore(%run_scoped3A : memref<!tpu.dma_semaphore, #tpu.memory_space<semaphore_mem>>) src(%dma_wait3A_67 : memref<624x128xf32, #tpu.memory_space<hbm>>) dst(%dma_wait3A_65 : memref<624x128xf32, #tpu.memory_space<vmem_shared>>)
        tpu.yield
      }) : () -> ()
      %eq3A_55 = arith.constant 15 : i32
      %eq3A_56 = arith.cmpi eq, %arg1, %eq3A_55 : i32
      %convert_element_type3A_57 = arith.extui %eq3A_56 : i1 to i32
      %cond3A_58 = arith.constant 0 : i32
      %cond3A_59 = arith.cmpi ne, %convert_element_type3A_57, %cond3A_58 : i32
      scf.if %cond3A_59 {
        "tpu.region"() ({
          %run_scoped3A = tpu.sem_alloc : memref<!tpu.dma_semaphore, #tpu.memory_space<semaphore_mem>>
          %dma_start3A_60 = arith.constant 9984 : i32
          %dma_start3A_61 = arith.constant 0 : i32
          %dma_start3A_62 = tpu.memref_slice %arg15[%dma_start3A_60, %dma_start3A_61] : memref<10000x128xf32, #tpu.memory_space<vmem_shared>> -> memref<16x128xf32, #tpu.memory_space<vmem_shared>>
          %dma_start3A_63 = arith.constant 9984 : i32
          %dma_start3A_64 = arith.constant 0 : i32
          %dma_start3A_65 = tpu.memref_slice %arg6[%dma_start3A_63, %dma_start3A_64] : memref<10000x128xf32, #tpu.memory_space<hbm>> -> memref<16x128xf32, #tpu.memory_space<hbm>>
          tpu.enqueue_dma source(%dma_start3A_65 : memref<16x128xf32, #tpu.memory_space<hbm>>) target(%dma_start3A_62 : memref<16x128xf32, #tpu.memory_space<vmem_shared>>) target_semaphore(%run_scoped3A : memref<!tpu.dma_semaphore, #tpu.memory_space<semaphore_mem>>)
          %dma_wait3A_66 = arith.constant 9984 : i32
          %dma_wait3A_67 = arith.constant 0 : i32
          %dma_wait3A_68 = tpu.memref_slice %arg15[%dma_wait3A_66, %dma_wait3A_67] : memref<10000x128xf32, #tpu.memory_space<vmem_shared>> -> memref<16x128xf32, #tpu.memory_space<vmem_shared>>
          %dma_wait3A_69 = arith.constant 9984 : i32
          %dma_wait3A_70 = arith.constant 0 : i32
          %dma_wait3A_71 = tpu.memref_slice %arg6[%dma_wait3A_69, %dma_wait3A_70] : memref<10000x128xf32, #tpu.memory_space<hbm>> -> memref<16x128xf32, #tpu.memory_space<hbm>>
          tpu.wait_dma2 semaphore(%run_scoped3A : memref<!tpu.dma_semaphore, #tpu.memory_space<semaphore_mem>>) src(%dma_wait3A_71 : memref<16x128xf32, #tpu.memory_space<hbm>>) dst(%dma_wait3A_68 : memref<16x128xf32, #tpu.memory_space<vmem_shared>>)
          tpu.yield
        }) : () -> ()
      } else {
      }
    } else {
    }
    %eq3A_8 = arith.constant 1 : i32
    %eq3A_9 = arith.cmpi eq, %arg0, %eq3A_8 : i32
    %convert_element_type3A_10 = arith.extui %eq3A_9 : i1 to i32
    %cond3A_11 = arith.constant 0 : i32
    %cond3A_12 = arith.cmpi ne, %convert_element_type3A_10, %cond3A_11 : i32
    scf.if %cond3A_12 {
      "tpu.region"() ({
        %run_scoped3A = tpu.sem_alloc : memref<!tpu.dma_semaphore, #tpu.memory_space<semaphore_mem>>
        %dma_start3A_60 = arith.constant 0 : i32
        %dma_start3A_61 = tpu.memref_slice %arg15[%mul3A_5, %dma_start3A_60] : memref<10000x128xf32, #tpu.memory_space<vmem_shared>> -> memref<624x128xf32, #tpu.memory_space<vmem_shared>>
        tpu.enqueue_dma source(%arg5 : memref<624x128xf32, #tpu.memory_space<hbm>>) target(%dma_start3A_61 : memref<624x128xf32, #tpu.memory_space<vmem_shared>>) target_semaphore(%run_scoped3A : memref<!tpu.dma_semaphore, #tpu.memory_space<semaphore_mem>>)
        %dma_wait3A_62 = arith.constant 0 : i32
        %dma_wait3A_63 = tpu.memref_slice %arg15[%mul3A_5, %dma_wait3A_62] : memref<10000x128xf32, #tpu.memory_space<vmem_shared>> -> memref<624x128xf32, #tpu.memory_space<vmem_shared>>
        tpu.wait_dma2 semaphore(%run_scoped3A : memref<!tpu.dma_semaphore, #tpu.memory_space<semaphore_mem>>) src(%arg5 : memref<624x128xf32, #tpu.memory_space<hbm>>) dst(%dma_wait3A_63 : memref<624x128xf32, #tpu.memory_space<vmem_shared>>)
        tpu.yield
      }) : () -> ()
      %eq3A_55 = arith.constant 15 : i32
      %eq3A_56 = arith.cmpi eq, %arg1, %eq3A_55 : i32
      %convert_element_type3A_57 = arith.extui %eq3A_56 : i1 to i32
      %cond3A_58 = arith.constant 0 : i32
      %cond3A_59 = arith.cmpi ne, %convert_element_type3A_57, %cond3A_58 : i32
      scf.if %cond3A_59 {
        "tpu.region"() ({
          %run_scoped3A = tpu.sem_alloc : memref<!tpu.dma_semaphore, #tpu.memory_space<semaphore_mem>>
          %dma_start3A_60 = arith.constant 9984 : i32
          %dma_start3A_61 = arith.constant 0 : i32
          %dma_start3A_62 = tpu.memref_slice %arg15[%dma_start3A_60, %dma_start3A_61] : memref<10000x128xf32, #tpu.memory_space<vmem_shared>> -> memref<16x128xf32, #tpu.memory_space<vmem_shared>>
          %dma_start3A_63 = arith.constant 0 : i32
          %dma_start3A_64 = arith.constant 0 : i32
          %dma_start3A_65 = tpu.memref_slice %arg5[%dma_start3A_63, %dma_start3A_64] : memref<624x128xf32, #tpu.memory_space<hbm>> -> memref<16x128xf32, #tpu.memory_space<hbm>>
          tpu.enqueue_dma source(%dma_start3A_65 : memref<16x128xf32, #tpu.memory_space<hbm>>) target(%dma_start3A_62 : memref<16x128xf32, #tpu.memory_space<vmem_shared>>) target_semaphore(%run_scoped3A : memref<!tpu.dma_semaphore, #tpu.memory_space<semaphore_mem>>)
          %dma_wait3A_66 = arith.constant 9984 : i32
          %dma_wait3A_67 = arith.constant 0 : i32
          %dma_wait3A_68 = tpu.memref_slice %arg15[%dma_wait3A_66, %dma_wait3A_67] : memref<10000x128xf32, #tpu.memory_space<vmem_shared>> -> memref<16x128xf32, #tpu.memory_space<vmem_shared>>
          %dma_wait3A_69 = arith.constant 0 : i32
          %dma_wait3A_70 = arith.constant 0 : i32
          %dma_wait3A_71 = tpu.memref_slice %arg5[%dma_wait3A_69, %dma_wait3A_70] : memref<624x128xf32, #tpu.memory_space<hbm>> -> memref<16x128xf32, #tpu.memory_space<hbm>>
          tpu.wait_dma2 semaphore(%run_scoped3A : memref<!tpu.dma_semaphore, #tpu.memory_space<semaphore_mem>>) src(%dma_wait3A_71 : memref<16x128xf32, #tpu.memory_space<hbm>>) dst(%dma_wait3A_68 : memref<16x128xf32, #tpu.memory_space<vmem_shared>>)
          tpu.yield
        }) : () -> ()
      } else {
      }
    } else {
    }
    %dma_wait3A = tpu.memref_slice %arg3[%mul3A_2] : memref<320000xi32, #tpu.memory_space<hbm>> -> memref<10000xi32, #tpu.memory_space<hbm>>
    %dma_wait3A_13 = tpu.memref_slice %arg3[%mul3A_2] : memref<320000xi32, #tpu.memory_space<hbm>> -> memref<10000xi32, #tpu.memory_space<hbm>>
    tpu.wait_dma2 semaphore(%arg16 : memref<!tpu.dma_semaphore, #tpu.memory_space<semaphore_mem>>) src(%dma_wait3A_13 : memref<10000xi32, #tpu.memory_space<hbm>>) dst(%arg8 : memref<10000xi32, #tpu.memory_space<vmem>>)
    %dma_start3A_14 = arith.constant 0 : i32
    %dma_start3A_15 = tpu.memref_slice %arg8[%dma_start3A_14] : memref<10000xi32, #tpu.memory_space<vmem>> -> memref<128xi32, #tpu.memory_space<vmem>>
    %dma_start3A_16 = arith.constant 0 : i32
    %dma_start3A_17 = arith.constant 0 : i32
    %dma_start3A_18 = tpu.memref_slice %arg2[%dma_start3A_16, %dma_start3A_17] : memref<80000x128xf32, #tpu.memory_space<hbm>> -> memref<80000x128xf32, #tpu.memory_space<hbm>>
    tpu.enqueue_indirect_dma source(%dma_start3A_18 : memref<80000x128xf32, #tpu.memory_space<hbm>>) target(%arg11 : memref<128x128xf32, #tpu.memory_space<vmem>>) offsets(%dma_start3A_15 : memref<128xi32, #tpu.memory_space<vmem>>) semaphore(%arg16 : memref<!tpu.dma_semaphore, #tpu.memory_space<semaphore_mem>>)
    %add3A_19 = arith.constant 0 : i32
    %add3A_20 = arith.addi %mul3A_2, %add3A_19 : i32
    %dma_start3A_21 = tpu.memref_slice %arg4[%add3A_20] : memref<320000xi32, #tpu.memory_space<hbm>> -> memref<128xi32, #tpu.memory_space<hbm>>
    %dma_start3A_22 = tpu.memref_slice %arg4[%add3A_20] : memref<320000xi32, #tpu.memory_space<hbm>> -> memref<128xi32, #tpu.memory_space<hbm>>
    tpu.enqueue_dma source(%dma_start3A_22 : memref<128xi32, #tpu.memory_space<hbm>>) target(%arg9 : memref<128xi32, #tpu.memory_space<vmem>>) target_semaphore(%arg18 : memref<!tpu.dma_semaphore, #tpu.memory_space<semaphore_mem>>)
    %barrier3A = arith.constant 0 : index
    tpu.barrier barrier_id(%barrier3A)
    %scan3A = arith.constant 0 : i32
    %scan3A_23 = arith.constant 0 : i32
    %scan3A_24 = arith.constant 39 : i32
    %scan3A_25 = arith.addi %scan3A_23, %scan3A_24 : i32
    %scan3A_26 = arith.constant 1 : i32
    scf.for %scan3A_55 = %scan3A_23 to %scan3A_25 step %scan3A_26  : i32 {
      %mul3A_56 = arith.constant 2 : i32
      %mul3A_57 = arith.muli %mul3A_56, %scan3A_55 : i32
      %add3A_58 = arith.constant 1 : i32
      %add3A_59 = arith.addi %mul3A_57, %add3A_58 : i32
      %mul3A_60 = arith.constant 128 : i32
      %mul3A_61 = arith.muli %add3A_59, %mul3A_60 : i32
      %dma_start3A_62 = tpu.memref_slice %arg8[%mul3A_61] : memref<10000xi32, #tpu.memory_space<vmem>> -> memref<128xi32, #tpu.memory_space<vmem>>
      %dma_start3A_63 = arith.constant 0 : i32
      %dma_start3A_64 = arith.constant 0 : i32
      %dma_start3A_65 = tpu.memref_slice %arg2[%dma_start3A_63, %dma_start3A_64] : memref<80000x128xf32, #tpu.memory_space<hbm>> -> memref<80000x128xf32, #tpu.memory_space<hbm>>
      tpu.enqueue_indirect_dma source(%dma_start3A_65 : memref<80000x128xf32, #tpu.memory_space<hbm>>) target(%arg12 : memref<128x128xf32, #tpu.memory_space<vmem>>) offsets(%dma_start3A_62 : memref<128xi32, #tpu.memory_space<vmem>>) semaphore(%arg17 : memref<!tpu.dma_semaphore, #tpu.memory_space<semaphore_mem>>)
      %mul3A_66 = arith.constant 128 : i32
      %mul3A_67 = arith.muli %add3A_59, %mul3A_66 : i32
      %add3A_68 = arith.addi %mul3A_2, %mul3A_67 : i32
      %dma_start3A_69 = tpu.memref_slice %arg4[%add3A_68] : memref<320000xi32, #tpu.memory_space<hbm>> -> memref<128xi32, #tpu.memory_space<hbm>>
      %dma_start3A_70 = tpu.memref_slice %arg4[%add3A_68] : memref<320000xi32, #tpu.memory_space<hbm>> -> memref<128xi32, #tpu.memory_space<hbm>>
      tpu.enqueue_dma source(%dma_start3A_70 : memref<128xi32, #tpu.memory_space<hbm>>) target(%arg10 : memref<128xi32, #tpu.memory_space<vmem>>) target_semaphore(%arg19 : memref<!tpu.dma_semaphore, #tpu.memory_space<semaphore_mem>>)
      %mul3A_71 = arith.constant 128 : i32
      %mul3A_72 = arith.muli %mul3A_57, %mul3A_71 : i32
      %dma_wait3A_73 = tpu.memref_slice %arg8[%mul3A_72] : memref<10000xi32, #tpu.memory_space<vmem>> -> memref<128xi32, #tpu.memory_space<vmem>>
      %dma_wait3A_74 = arith.constant 0 : i32
      %dma_wait3A_75 = arith.constant 0 : i32
      %dma_wait3A_76 = tpu.memref_slice %arg2[%dma_wait3A_74, %dma_wait3A_75] : memref<80000x128xf32, #tpu.memory_space<hbm>> -> memref<80000x128xf32, #tpu.memory_space<hbm>>
      tpu.wait_indirect_dma semaphore(%arg16 : memref<!tpu.dma_semaphore, #tpu.memory_space<semaphore_mem>>) src(%dma_wait3A_76 : memref<80000x128xf32, #tpu.memory_space<hbm>>) dst(%arg11 : memref<128x128xf32, #tpu.memory_space<vmem>>)
      %mul3A_77 = arith.constant 128 : i32
      %mul3A_78 = arith.muli %mul3A_57, %mul3A_77 : i32
      %add3A_79 = arith.addi %mul3A_2, %mul3A_78 : i32
      %dma_wait3A_80 = tpu.memref_slice %arg4[%add3A_79] : memref<320000xi32, #tpu.memory_space<hbm>> -> memref<128xi32, #tpu.memory_space<hbm>>
      %dma_wait3A_81 = tpu.memref_slice %arg4[%add3A_79] : memref<320000xi32, #tpu.memory_space<hbm>> -> memref<128xi32, #tpu.memory_space<hbm>>
      tpu.wait_dma2 semaphore(%arg18 : memref<!tpu.dma_semaphore, #tpu.memory_space<semaphore_mem>>) src(%dma_wait3A_81 : memref<128xi32, #tpu.memory_space<hbm>>) dst(%arg9 : memref<128xi32, #tpu.memory_space<vmem>>)
      "tpu.region"() ({
        %run_scoped3A = tpu.sem_alloc : memref<!tpu.dma_semaphore, #tpu.memory_space<semaphore_mem>>
        %dma_start3A_99 = arith.constant 0 : i32
        %dma_start3A_100 = arith.constant 0 : i32
        %dma_start3A_101 = tpu.memref_slice %arg15[%dma_start3A_99, %dma_start3A_100] : memref<10000x128xf32, #tpu.memory_space<vmem_shared>> -> memref<10000x128xf32, #tpu.memory_space<vmem_shared>>
        tpu.enqueue_indirect_dma source(%arg11 : memref<128x128xf32, #tpu.memory_space<vmem>>) target(%dma_start3A_101 : memref<10000x128xf32, #tpu.memory_space<vmem_shared>>) offsets(%arg9 : memref<128xi32, #tpu.memory_space<vmem>>) semaphore(%run_scoped3A : memref<!tpu.dma_semaphore, #tpu.memory_space<semaphore_mem>>) {add = true}
        %dma_wait3A_102 = arith.constant 0 : i32
        %dma_wait3A_103 = arith.constant 0 : i32
        %dma_wait3A_104 = tpu.memref_slice %arg15[%dma_wait3A_102, %dma_wait3A_103] : memref<10000x128xf32, #tpu.memory_space<vmem_shared>> -> memref<10000x128xf32, #tpu.memory_space<vmem_shared>>
        tpu.wait_indirect_dma semaphore(%run_scoped3A : memref<!tpu.dma_semaphore, #tpu.memory_space<semaphore_mem>>) src(%arg11 : memref<128x128xf32, #tpu.memory_space<vmem>>) dst(%dma_wait3A_104 : memref<10000x128xf32, #tpu.memory_space<vmem_shared>>)
        tpu.yield
      }) : () -> ()
      %lt3A = arith.constant 38 : i32
      %lt3A_82 = arith.cmpi slt, %scan3A_55, %lt3A : i32
      %convert_element_type3A_83 = arith.extui %lt3A_82 : i1 to i32
      %cond3A_84 = arith.constant 0 : i32
      %cond3A_85 = arith.cmpi ne, %convert_element_type3A_83, %cond3A_84 : i32
      scf.if %cond3A_85 {
        %add3A_99 = arith.constant 2 : i32
        %add3A_100 = arith.addi %mul3A_57, %add3A_99 : i32
        %mul3A_101 = arith.constant 128 : i32
        %mul3A_102 = arith.muli %add3A_100, %mul3A_101 : i32
        %dma_start3A_103 = tpu.memref_slice %arg8[%mul3A_102] : memref<10000xi32, #tpu.memory_space<vmem>> -> memref<128xi32, #tpu.memory_space<vmem>>
        %dma_start3A_104 = arith.constant 0 : i32
        %dma_start3A_105 = arith.constant 0 : i32
        %dma_start3A_106 = tpu.memref_slice %arg2[%dma_start3A_104, %dma_start3A_105] : memref<80000x128xf32, #tpu.memory_space<hbm>> -> memref<80000x128xf32, #tpu.memory_space<hbm>>
        tpu.enqueue_indirect_dma source(%dma_start3A_106 : memref<80000x128xf32, #tpu.memory_space<hbm>>) target(%arg11 : memref<128x128xf32, #tpu.memory_space<vmem>>) offsets(%dma_start3A_103 : memref<128xi32, #tpu.memory_space<vmem>>) semaphore(%arg16 : memref<!tpu.dma_semaphore, #tpu.memory_space<semaphore_mem>>)
        %mul3A_107 = arith.constant 128 : i32
        %mul3A_108 = arith.muli %add3A_100, %mul3A_107 : i32
        %add3A_109 = arith.addi %mul3A_2, %mul3A_108 : i32
        %dma_start3A_110 = tpu.memref_slice %arg4[%add3A_109] : memref<320000xi32, #tpu.memory_space<hbm>> -> memref<128xi32, #tpu.memory_space<hbm>>
        %dma_start3A_111 = tpu.memref_slice %arg4[%add3A_109] : memref<320000xi32, #tpu.memory_space<hbm>> -> memref<128xi32, #tpu.memory_space<hbm>>
        tpu.enqueue_dma source(%dma_start3A_111 : memref<128xi32, #tpu.memory_space<hbm>>) target(%arg9 : memref<128xi32, #tpu.memory_space<vmem>>) target_semaphore(%arg18 : memref<!tpu.dma_semaphore, #tpu.memory_space<semaphore_mem>>)
      } else {
      }
      %add3A_86 = arith.constant 1 : i32
      %add3A_87 = arith.addi %mul3A_57, %add3A_86 : i32
      %mul3A_88 = arith.constant 128 : i32
      %mul3A_89 = arith.muli %add3A_87, %mul3A_88 : i32
      %dma_wait3A_90 = tpu.memref_slice %arg8[%mul3A_89] : memref<10000xi32, #tpu.memory_space<vmem>> -> memref<128xi32, #tpu.memory_space<vmem>>
      %dma_wait3A_91 = arith.constant 0 : i32
      %dma_wait3A_92 = arith.constant 0 : i32
      %dma_wait3A_93 = tpu.memref_slice %arg2[%dma_wait3A_91, %dma_wait3A_92] : memref<80000x128xf32, #tpu.memory_space<hbm>> -> memref<80000x128xf32, #tpu.memory_space<hbm>>
      tpu.wait_indirect_dma semaphore(%arg17 : memref<!tpu.dma_semaphore, #tpu.memory_space<semaphore_mem>>) src(%dma_wait3A_93 : memref<80000x128xf32, #tpu.memory_space<hbm>>) dst(%arg12 : memref<128x128xf32, #tpu.memory_space<vmem>>)
      %mul3A_94 = arith.constant 128 : i32
      %mul3A_95 = arith.muli %add3A_87, %mul3A_94 : i32
      %add3A_96 = arith.addi %mul3A_2, %mul3A_95 : i32
      %dma_wait3A_97 = tpu.memref_slice %arg4[%add3A_96] : memref<320000xi32, #tpu.memory_space<hbm>> -> memref<128xi32, #tpu.memory_space<hbm>>
      %dma_wait3A_98 = tpu.memref_slice %arg4[%add3A_96] : memref<320000xi32, #tpu.memory_space<hbm>> -> memref<128xi32, #tpu.memory_space<hbm>>
      tpu.wait_dma2 semaphore(%arg19 : memref<!tpu.dma_semaphore, #tpu.memory_space<semaphore_mem>>) src(%dma_wait3A_98 : memref<128xi32, #tpu.memory_space<hbm>>) dst(%arg10 : memref<128xi32, #tpu.memory_space<vmem>>)
      "tpu.region"() ({
        %run_scoped3A = tpu.sem_alloc : memref<!tpu.dma_semaphore, #tpu.memory_space<semaphore_mem>>
        %dma_start3A_99 = arith.constant 0 : i32
        %dma_start3A_100 = arith.constant 0 : i32
        %dma_start3A_101 = tpu.memref_slice %arg15[%dma_start3A_99, %dma_start3A_100] : memref<10000x128xf32, #tpu.memory_space<vmem_shared>> -> memref<10000x128xf32, #tpu.memory_space<vmem_shared>>
        tpu.enqueue_indirect_dma source(%arg12 : memref<128x128xf32, #tpu.memory_space<vmem>>) target(%dma_start3A_101 : memref<10000x128xf32, #tpu.memory_space<vmem_shared>>) offsets(%arg10 : memref<128xi32, #tpu.memory_space<vmem>>) semaphore(%run_scoped3A : memref<!tpu.dma_semaphore, #tpu.memory_space<semaphore_mem>>) {add = true}
        %dma_wait3A_102 = arith.constant 0 : i32
        %dma_wait3A_103 = arith.constant 0 : i32
        %dma_wait3A_104 = tpu.memref_slice %arg15[%dma_wait3A_102, %dma_wait3A_103] : memref<10000x128xf32, #tpu.memory_space<vmem_shared>> -> memref<10000x128xf32, #tpu.memory_space<vmem_shared>>
        tpu.wait_indirect_dma semaphore(%run_scoped3A : memref<!tpu.dma_semaphore, #tpu.memory_space<semaphore_mem>>) src(%arg12 : memref<128x128xf32, #tpu.memory_space<vmem>>) dst(%dma_wait3A_104 : memref<10000x128xf32, #tpu.memory_space<vmem_shared>>)
        tpu.yield
      }) : () -> ()
    }
    %scan3A_27 = arith.constant 39 : i32
    %add3A_28 = arith.constant 9984 : i32
    %add3A_29 = arith.addi %mul3A_2, %add3A_28 : i32
    %dma_start3A_30 = tpu.memref_slice %arg4[%add3A_29] : memref<320000xi32, #tpu.memory_space<hbm>> -> memref<16xi32, #tpu.memory_space<hbm>>
    %dma_start3A_31 = tpu.memref_slice %arg4[%add3A_29] : memref<320000xi32, #tpu.memory_space<hbm>> -> memref<16xi32, #tpu.memory_space<hbm>>
    tpu.enqueue_dma source(%dma_start3A_31 : memref<16xi32, #tpu.memory_space<hbm>>) target(%arg13 : memref<16xi32, #tpu.memory_space<vmem>>) target_semaphore(%arg18 : memref<!tpu.dma_semaphore, #tpu.memory_space<semaphore_mem>>)
    %dma_wait3A_32 = tpu.memref_slice %arg4[%add3A_29] : memref<320000xi32, #tpu.memory_space<hbm>> -> memref<16xi32, #tpu.memory_space<hbm>>
    %dma_wait3A_33 = tpu.memref_slice %arg4[%add3A_29] : memref<320000xi32, #tpu.memory_space<hbm>> -> memref<16xi32, #tpu.memory_space<hbm>>
    tpu.wait_dma2 semaphore(%arg18 : memref<!tpu.dma_semaphore, #tpu.memory_space<semaphore_mem>>) src(%dma_wait3A_33 : memref<16xi32, #tpu.memory_space<hbm>>) dst(%arg13 : memref<16xi32, #tpu.memory_space<vmem>>)
    %dma_start3A_34 = arith.constant 9984 : i32
    %dma_start3A_35 = tpu.memref_slice %arg8[%dma_start3A_34] : memref<10000xi32, #tpu.memory_space<vmem>> -> memref<16xi32, #tpu.memory_space<vmem>>
    %dma_start3A_36 = arith.constant 0 : i32
    %dma_start3A_37 = arith.constant 0 : i32
    %dma_start3A_38 = tpu.memref_slice %arg2[%dma_start3A_36, %dma_start3A_37] : memref<80000x128xf32, #tpu.memory_space<hbm>> -> memref<80000x128xf32, #tpu.memory_space<hbm>>
    tpu.enqueue_indirect_dma source(%dma_start3A_38 : memref<80000x128xf32, #tpu.memory_space<hbm>>) target(%arg14 : memref<16x128xf32, #tpu.memory_space<vmem>>) offsets(%dma_start3A_35 : memref<16xi32, #tpu.memory_space<vmem>>) semaphore(%arg16 : memref<!tpu.dma_semaphore, #tpu.memory_space<semaphore_mem>>)
    %dma_wait3A_39 = arith.constant 9984 : i32
    %dma_wait3A_40 = tpu.memref_slice %arg8[%dma_wait3A_39] : memref<10000xi32, #tpu.memory_space<vmem>> -> memref<16xi32, #tpu.memory_space<vmem>>
    %dma_wait3A_41 = arith.constant 0 : i32
    %dma_wait3A_42 = arith.constant 0 : i32
    %dma_wait3A_43 = tpu.memref_slice %arg2[%dma_wait3A_41, %dma_wait3A_42] : memref<80000x128xf32, #tpu.memory_space<hbm>> -> memref<80000x128xf32, #tpu.memory_space<hbm>>
    tpu.wait_indirect_dma semaphore(%arg16 : memref<!tpu.dma_semaphore, #tpu.memory_space<semaphore_mem>>) src(%dma_wait3A_43 : memref<80000x128xf32, #tpu.memory_space<hbm>>) dst(%arg14 : memref<16x128xf32, #tpu.memory_space<vmem>>)
    "tpu.region"() ({
      %run_scoped3A = tpu.sem_alloc : memref<!tpu.dma_semaphore, #tpu.memory_space<semaphore_mem>>
      %dma_start3A_55 = arith.constant 0 : i32
      %dma_start3A_56 = arith.constant 0 : i32
      %dma_start3A_57 = tpu.memref_slice %arg15[%dma_start3A_55, %dma_start3A_56] : memref<10000x128xf32, #tpu.memory_space<vmem_shared>> -> memref<10000x128xf32, #tpu.memory_space<vmem_shared>>
      tpu.enqueue_indirect_dma source(%arg14 : memref<16x128xf32, #tpu.memory_space<vmem>>) target(%dma_start3A_57 : memref<10000x128xf32, #tpu.memory_space<vmem_shared>>) offsets(%arg13 : memref<16xi32, #tpu.memory_space<vmem>>) semaphore(%run_scoped3A : memref<!tpu.dma_semaphore, #tpu.memory_space<semaphore_mem>>) {add = true}
      %dma_wait3A_58 = arith.constant 0 : i32
      %dma_wait3A_59 = arith.constant 0 : i32
      %dma_wait3A_60 = tpu.memref_slice %arg15[%dma_wait3A_58, %dma_wait3A_59] : memref<10000x128xf32, #tpu.memory_space<vmem_shared>> -> memref<10000x128xf32, #tpu.memory_space<vmem_shared>>
      tpu.wait_indirect_dma semaphore(%run_scoped3A : memref<!tpu.dma_semaphore, #tpu.memory_space<semaphore_mem>>) src(%arg14 : memref<16x128xf32, #tpu.memory_space<vmem>>) dst(%dma_wait3A_60 : memref<10000x128xf32, #tpu.memory_space<vmem_shared>>)
      tpu.yield
    }) : () -> ()
    %barrier3A_44 = arith.constant 0 : index
    tpu.barrier barrier_id(%barrier3A_44)
    %mul3A_45 = arith.constant 624 : i32
    %mul3A_46 = arith.muli %arg1, %mul3A_45 : i32
    %mul3A_47 = arith.constant 10000 : i32
    %mul3A_48 = arith.muli %arg0, %mul3A_47 : i32
    %add3A_49 = arith.addi %mul3A_48, %mul3A_46 : i32
    "tpu.region"() ({
      %run_scoped3A = tpu.sem_alloc : memref<!tpu.dma_semaphore, #tpu.memory_space<semaphore_mem>>
      %dma_start3A_55 = arith.constant 0 : i32
      %dma_start3A_56 = tpu.memref_slice %arg7[%add3A_49, %dma_start3A_55] : memref<20000x128xf32, #tpu.memory_space<hbm>> -> memref<624x128xf32, #tpu.memory_space<hbm>>
      %dma_start3A_57 = arith.constant 0 : i32
      %dma_start3A_58 = tpu.memref_slice %arg15[%mul3A_46, %dma_start3A_57] : memref<10000x128xf32, #tpu.memory_space<vmem_shared>> -> memref<624x128xf32, #tpu.memory_space<vmem_shared>>
      tpu.enqueue_dma source(%dma_start3A_58 : memref<624x128xf32, #tpu.memory_space<vmem_shared>>) target(%dma_start3A_56 : memref<624x128xf32, #tpu.memory_space<hbm>>) target_semaphore(%run_scoped3A : memref<!tpu.dma_semaphore, #tpu.memory_space<semaphore_mem>>)
      %dma_wait3A_59 = arith.constant 0 : i32
      %dma_wait3A_60 = tpu.memref_slice %arg7[%add3A_49, %dma_wait3A_59] : memref<20000x128xf32, #tpu.memory_space<hbm>> -> memref<624x128xf32, #tpu.memory_space<hbm>>
      %dma_wait3A_61 = arith.constant 0 : i32
      %dma_wait3A_62 = tpu.memref_slice %arg15[%mul3A_46, %dma_wait3A_61] : memref<10000x128xf32, #tpu.memory_space<vmem_shared>> -> memref<624x128xf32, #tpu.memory_space<vmem_shared>>
      tpu.wait_dma2 semaphore(%run_scoped3A : memref<!tpu.dma_semaphore, #tpu.memory_space<semaphore_mem>>) src(%dma_wait3A_62 : memref<624x128xf32, #tpu.memory_space<vmem_shared>>) dst(%dma_wait3A_60 : memref<624x128xf32, #tpu.memory_space<hbm>>)
      tpu.yield
    }) : () -> ()
    %eq3A_50 = arith.constant 15 : i32
    %eq3A_51 = arith.cmpi eq, %arg1, %eq3A_50 : i32
    %convert_element_type3A_52 = arith.extui %eq3A_51 : i1 to i32
    %cond3A_53 = arith.constant 0 : i32
    %cond3A_54 = arith.cmpi ne, %convert_element_type3A_52, %cond3A_53 : i32
    scf.if %cond3A_54 {
      %mul3A_55 = arith.constant 10000 : i32
      %mul3A_56 = arith.muli %arg0, %mul3A_55 : i32
      %add3A_57 = arith.constant 9984 : i32
      %add3A_58 = arith.addi %mul3A_56, %add3A_57 : i32
      "tpu.region"() ({
        %run_scoped3A = tpu.sem_alloc : memref<!tpu.dma_semaphore, #tpu.memory_space<semaphore_mem>>
        %dma_start3A_59 = arith.constant 0 : i32
        %dma_start3A_60 = tpu.memref_slice %arg7[%add3A_58, %dma_start3A_59] : memref<20000x128xf32, #tpu.memory_space<hbm>> -> memref<16x128xf32, #tpu.memory_space<hbm>>
        %dma_start3A_61 = arith.constant 9984 : i32
        %dma_start3A_62 = arith.constant 0 : i32
        %dma_start3A_63 = tpu.memref_slice %arg15[%dma_start3A_61, %dma_start3A_62] : memref<10000x128xf32, #tpu.memory_space<vmem_shared>> -> memref<16x128xf32, #tpu.memory_space<vmem_shared>>
        tpu.enqueue_dma source(%dma_start3A_63 : memref<16x128xf32, #tpu.memory_space<vmem_shared>>) target(%dma_start3A_60 : memref<16x128xf32, #tpu.memory_space<hbm>>) target_semaphore(%run_scoped3A : memref<!tpu.dma_semaphore, #tpu.memory_space<semaphore_mem>>)
        %dma_wait3A_64 = arith.constant 0 : i32
        %dma_wait3A_65 = tpu.memref_slice %arg7[%add3A_58, %dma_wait3A_64] : memref<20000x128xf32, #tpu.memory_space<hbm>> -> memref<16x128xf32, #tpu.memory_space<hbm>>
        %dma_wait3A_66 = arith.constant 9984 : i32
        %dma_wait3A_67 = arith.constant 0 : i32
        %dma_wait3A_68 = tpu.memref_slice %arg15[%dma_wait3A_66, %dma_wait3A_67] : memref<10000x128xf32, #tpu.memory_space<vmem_shared>> -> memref<16x128xf32, #tpu.memory_space<vmem_shared>>
        tpu.wait_dma2 semaphore(%run_scoped3A : memref<!tpu.dma_semaphore, #tpu.memory_space<semaphore_mem>>) src(%dma_wait3A_68 : memref<16x128xf32, #tpu.memory_space<vmem_shared>>) dst(%dma_wait3A_65 : memref<16x128xf32, #tpu.memory_space<hbm>>)
        tpu.yield
      }) : () -> ()
    } else {
    }
    return
  }
}

module attributes {stable_mosaic.version = 14 : i64} {
  func.func @_xw_body(%arg0: i32, %arg1: memref<8x4xf32, #tpu.memory_space<smem>>, %arg2: memref<10000x128xf32, #tpu.memory_space<vmem>>, %arg3: memref<4x128x128xf32, #tpu.memory_space<vmem>>, %arg4: memref<320x128xi32, #tpu.memory_space<vmem>>, %arg5: memref<320x128xi32, #tpu.memory_space<vmem>>, %arg6: memref<128x128xf32, #tpu.memory_space<vmem>>, %arg7: memref<1x128xf32, #tpu.memory_space<vmem>>, %arg8: memref<10000x128xf32, #tpu.memory_space<vmem>>, %arg9: memref<320x128xi32, #tpu.memory_space<vmem>>, %arg10: memref<10000x128xf32, #tpu.memory_space<vmem>>) attributes {dimension_semantics = [#tpu.dimension_semantics<arbitrary>], iteration_bounds = array<i64: 8>, scalar_prefetch = 0 : i64, scratch_operands = 0 : i64, tpu.core_type = #tpu.core_type<tc>, window_params = [{transform_indices = @transform_0, window_bounds = array<i64: 8, 4>}, {pipeline_mode = #tpu.pipeline_mode<synchronous>, transform_indices = @transform_1, window_bounds = array<i64: 10000, 128>}, {pipeline_mode = #tpu.pipeline_mode<synchronous>, transform_indices = @transform_2, window_bounds = array<i64: 4, 128, 128>}, {transform_indices = @transform_3, window_bounds = array<i64: 320, 128>}, {transform_indices = @transform_4, window_bounds = array<i64: 320, 128>}, {pipeline_mode = #tpu.pipeline_mode<synchronous>, transform_indices = @transform_5, window_bounds = array<i64: 128, 128>}, {pipeline_mode = #tpu.pipeline_mode<synchronous>, transform_indices = @transform_6, window_bounds = array<i64: 1, 128>}, {transform_indices = @transform_7, window_bounds = array<i64: 10000, 128>}, {transform_indices = @transform_8, window_bounds = array<i64: 320, 128>}, {pipeline_mode = #tpu.pipeline_mode<synchronous>, transform_indices = @transform_9, window_bounds = array<i64: 10000, 128>}]} {
    %get3A = arith.index_cast %arg0 : i32 to index
    %get3A_0 = arith.constant 0 : index
    %get3A_1 = memref.load %arg1[%get3A, %get3A_0] : memref<8x4xf32, #tpu.memory_space<smem>>
    %get3A_2 = arith.constant 0 : index
    %get3A_3 = arith.constant 0 : index
    %get3A_4 = arith.constant 0 : index
    %get3A_5 = vector.load %arg3[%get3A_2, %get3A_3, %get3A_4] : memref<4x128x128xf32, #tpu.memory_space<vmem>>, vector<1x128x128xf32>
    %get3A_6 = vector.shape_cast %get3A_5 : vector<1x128x128xf32> to vector<128x128xf32>
    %mul3A = vector.broadcast %get3A_1 : f32 to vector<128x128xf32>
    %mul3A_7 = arith.mulf %mul3A, %get3A_6 : vector<128x128xf32>
    %get3A_8 = arith.index_cast %arg0 : i32 to index
    %get3A_9 = arith.constant 1 : index
    %get3A_10 = memref.load %arg1[%get3A_8, %get3A_9] : memref<8x4xf32, #tpu.memory_space<smem>>
    %get3A_11 = arith.constant 1 : index
    %get3A_12 = arith.constant 0 : index
    %get3A_13 = arith.constant 0 : index
    %get3A_14 = vector.load %arg3[%get3A_11, %get3A_12, %get3A_13] : memref<4x128x128xf32, #tpu.memory_space<vmem>>, vector<1x128x128xf32>
    %get3A_15 = vector.shape_cast %get3A_14 : vector<1x128x128xf32> to vector<128x128xf32>
    %mul3A_16 = vector.broadcast %get3A_10 : f32 to vector<128x128xf32>
    %mul3A_17 = arith.mulf %mul3A_16, %get3A_15 : vector<128x128xf32>
    %add3A = arith.addf %mul3A_7, %mul3A_17 : vector<128x128xf32>
    %get3A_18 = arith.index_cast %arg0 : i32 to index
    %get3A_19 = arith.constant 2 : index
    %get3A_20 = memref.load %arg1[%get3A_18, %get3A_19] : memref<8x4xf32, #tpu.memory_space<smem>>
    %get3A_21 = arith.constant 2 : index
    %get3A_22 = arith.constant 0 : index
    %get3A_23 = arith.constant 0 : index
    %get3A_24 = vector.load %arg3[%get3A_21, %get3A_22, %get3A_23] : memref<4x128x128xf32, #tpu.memory_space<vmem>>, vector<1x128x128xf32>
    %get3A_25 = vector.shape_cast %get3A_24 : vector<1x128x128xf32> to vector<128x128xf32>
    %mul3A_26 = vector.broadcast %get3A_20 : f32 to vector<128x128xf32>
    %mul3A_27 = arith.mulf %mul3A_26, %get3A_25 : vector<128x128xf32>
    %add3A_28 = arith.addf %add3A, %mul3A_27 : vector<128x128xf32>
    %get3A_29 = arith.index_cast %arg0 : i32 to index
    %get3A_30 = arith.constant 3 : index
    %get3A_31 = memref.load %arg1[%get3A_29, %get3A_30] : memref<8x4xf32, #tpu.memory_space<smem>>
    %get3A_32 = arith.constant 3 : index
    %get3A_33 = arith.constant 0 : index
    %get3A_34 = arith.constant 0 : index
    %get3A_35 = vector.load %arg3[%get3A_32, %get3A_33, %get3A_34] : memref<4x128x128xf32, #tpu.memory_space<vmem>>, vector<1x128x128xf32>
    %get3A_36 = vector.shape_cast %get3A_35 : vector<1x128x128xf32> to vector<128x128xf32>
    %mul3A_37 = vector.broadcast %get3A_31 : f32 to vector<128x128xf32>
    %mul3A_38 = arith.mulf %mul3A_37, %get3A_36 : vector<128x128xf32>
    %add3A_39 = arith.addf %add3A_28, %mul3A_38 : vector<128x128xf32>
    %get3A_40 = arith.constant 0 : index
    %get3A_41 = arith.constant 0 : index
    %get3A_42 = vector.load %arg2[%get3A_40, %get3A_41] : memref<10000x128xf32, #tpu.memory_space<vmem>>, vector<10000x128xf32>
    %dot_general3A = arith.constant dense<0.000000e+00> : vector<10000x128xf32>
    %dot_general3A_43 = tpu.matmul %get3A_42, %add3A_39, %dot_general3A {dimension_numbers = #tpu.dot_dimension_numbers<[1], [0], [0], [1], [0, 0, 1, 1], [], []>, transpose_lhs_hint = false} : vector<10000x128xf32>, vector<128x128xf32>, vector<10000x128xf32> -> vector<10000x128xf32>
    %swap3A = arith.constant 0 : index
    %swap3A_44 = arith.constant 0 : index
    %swap3A_45 = vector.load %arg8[%swap3A, %swap3A_44] : memref<10000x128xf32, #tpu.memory_space<vmem>>, vector<10000x128xf32>
    tpu.vector_store %arg8[%swap3A, %swap3A_44], %dot_general3A_43 {strides = array<i32>} : memref<10000x128xf32, #tpu.memory_space<vmem>>, vector<10000x128xf32>,
    %get3A_46 = arith.constant 0 : index
    %get3A_47 = arith.constant 0 : index
    %get3A_48 = vector.load %arg4[%get3A_46, %get3A_47] : memref<320x128xi32, #tpu.memory_space<vmem>>, vector<320x128xi32>
    %mul3A_49 = arith.constant 10000 : i32
    %mul3A_50 = vector.broadcast %mul3A_49 : i32 to vector<320x128xi32>
    %mul3A_51 = arith.muli %get3A_48, %mul3A_50 : vector<320x128xi32>
    %get3A_52 = arith.constant 0 : index
    %get3A_53 = arith.constant 0 : index
    %get3A_54 = vector.load %arg5[%get3A_52, %get3A_53] : memref<320x128xi32, #tpu.memory_space<vmem>>, vector<320x128xi32>
    %add3A_55 = arith.addi %mul3A_51, %get3A_54 : vector<320x128xi32>
    %swap3A_56 = arith.constant 0 : index
    %swap3A_57 = arith.constant 0 : index
    %swap3A_58 = vector.load %arg9[%swap3A_56, %swap3A_57] : memref<320x128xi32, #tpu.memory_space<vmem>>, vector<320x128xi32>
    tpu.vector_store %arg9[%swap3A_56, %swap3A_57], %add3A_55 {strides = array<i32>} : memref<320x128xi32, #tpu.memory_space<vmem>>, vector<320x128xi32>,
    %eq3A = arith.constant 0 : i32
    %eq3A_59 = arith.cmpi eq, %arg0, %eq3A : i32
    %convert_element_type3A = arith.extui %eq3A_59 : i1 to i32
    %cond3A = arith.constant 0 : i32
    %cond3A_60 = arith.cmpi ne, %convert_element_type3A, %cond3A : i32
    scf.if %cond3A_60 {
      %get3A_61 = arith.constant 0 : index
      %get3A_62 = arith.constant 0 : index
      %get3A_63 = vector.load %arg2[%get3A_61, %get3A_62] : memref<10000x128xf32, #tpu.memory_space<vmem>>, vector<10000x128xf32>
      %get3A_64 = arith.constant 0 : index
      %get3A_65 = arith.constant 0 : index
      %get3A_66 = vector.load %arg6[%get3A_64, %get3A_65] : memref<128x128xf32, #tpu.memory_space<vmem>>, vector<128x128xf32>
      %dot_general3A_67 = arith.constant dense<0.000000e+00> : vector<10000x128xf32>
      %dot_general3A_68 = tpu.matmul %get3A_63, %get3A_66, %dot_general3A_67 {dimension_numbers = #tpu.dot_dimension_numbers<[1], [0], [0], [1], [0, 0, 1, 1], [], []>, transpose_lhs_hint = false} : vector<10000x128xf32>, vector<128x128xf32>, vector<10000x128xf32> -> vector<10000x128xf32>
      %get3A_69 = arith.constant 0 : index
      %get3A_70 = arith.constant 0 : index
      %get3A_71 = vector.load %arg7[%get3A_69, %get3A_70] : memref<1x128xf32, #tpu.memory_space<vmem>>, vector<1x128xf32>
      %add3A_72 = vector.broadcast %get3A_71 : vector<1x128xf32> to vector<10000x128xf32>
      %add3A_73 = arith.addf %dot_general3A_68, %add3A_72 : vector<10000x128xf32>
      %swap3A_74 = arith.constant 0 : index
      %swap3A_75 = arith.constant 0 : index
      %swap3A_76 = vector.load %arg10[%swap3A_74, %swap3A_75] : memref<10000x128xf32, #tpu.memory_space<vmem>>, vector<10000x128xf32>
      tpu.vector_store %arg10[%swap3A_74, %swap3A_75], %add3A_73 {strides = array<i32>} : memref<10000x128xf32, #tpu.memory_space<vmem>>, vector<10000x128xf32>,
    } else {
    }
    return
  }
  func.func @transform_0(%arg0: i32) -> (i32, i32) {
    %c0_i32 = arith.constant 0 : i32
    %c0_i32_0 = arith.constant 0 : i32
    %c0_i32_1 = arith.constant 0 : i32
    return %c0_i32, %c0_i32_0 : i32, i32
  }
  func.func @transform_1(%arg0: i32) -> (i32, i32) {
    %c0_i32 = arith.constant 0 : i32
    %c0_i32_0 = arith.constant 0 : i32
    %c0_i32_1 = arith.constant 0 : i32
    return %c0_i32, %c0_i32_0 : i32, i32
  }
  func.func @transform_2(%arg0: i32) -> (i32, i32, i32) {
    %c0_i32 = arith.constant 0 : i32
    %c0_i32_0 = arith.constant 0 : i32
    %c0_i32_1 = arith.constant 0 : i32
    %c0_i32_2 = arith.constant 0 : i32
    return %c0_i32, %c0_i32_0, %c0_i32_1 : i32, i32, i32
  }
  func.func @transform_3(%arg0: i32) -> (i32, i32) {
    %c0_i32 = arith.constant 0 : i32
    %c0_i32_0 = arith.constant 0 : i32
    return %arg0, %c0_i32 : i32, i32
  }
  func.func @transform_4(%arg0: i32) -> (i32, i32) {
    %c0_i32 = arith.constant 0 : i32
    %c0_i32_0 = arith.constant 0 : i32
    return %arg0, %c0_i32 : i32, i32
  }
  func.func @transform_5(%arg0: i32) -> (i32, i32) {
    %c0_i32 = arith.constant 0 : i32
    %c0_i32_0 = arith.constant 0 : i32
    %c0_i32_1 = arith.constant 0 : i32
    return %c0_i32, %c0_i32_0 : i32, i32
  }
  func.func @transform_6(%arg0: i32) -> (i32, i32) {
    %c0_i32 = arith.constant 0 : i32
    %c0_i32_0 = arith.constant 0 : i32
    %c0_i32_1 = arith.constant 0 : i32
    return %c0_i32, %c0_i32_0 : i32, i32
  }
  func.func @transform_7(%arg0: i32) -> (i32, i32) {
    %c0_i32 = arith.constant 0 : i32
    %c0_i32_0 = arith.constant 0 : i32
    return %arg0, %c0_i32 : i32, i32
  }
  func.func @transform_8(%arg0: i32) -> (i32, i32) {
    %c0_i32 = arith.constant 0 : i32
    %c0_i32_0 = arith.constant 0 : i32
    return %arg0, %c0_i32 : i32, i32
  }
  func.func @transform_9(%arg0: i32) -> (i32, i32) {
    %c0_i32 = arith.constant 0 : i32
    %c0_i32_0 = arith.constant 0 : i32
    %c0_i32_1 = arith.constant 0 : i32
    return %c0_i32, %c0_i32_0 : i32, i32
  }
}

module attributes {stable_mosaic.version = 14 : i64} {
  func.func @_combine_body(%arg0: i32, %arg1: memref<5000x128xf32, #tpu.memory_space<vmem>>, %arg2: memref<5000x128xf32, #tpu.memory_space<vmem>>, %arg3: memref<5000x128xf32, #tpu.memory_space<vmem>>) attributes {dimension_semantics = [#tpu.dimension_semantics<arbitrary>], iteration_bounds = array<i64: 2>, scalar_prefetch = 0 : i64, scratch_operands = 0 : i64, tpu.core_type = #tpu.core_type<tc>, window_params = [{transform_indices = @transform_0, window_bounds = array<i64: 5000, 128>}, {transform_indices = @transform_1, window_bounds = array<i64: 5000, 128>}, {transform_indices = @transform_2, window_bounds = array<i64: 5000, 128>}]} {
    %get3A = arith.constant 0 : index
    %get3A_0 = arith.constant 0 : index
    %get3A_1 = vector.load %arg1[%get3A, %get3A_0] : memref<5000x128xf32, #tpu.memory_space<vmem>>, vector<5000x128xf32>
    %get3A_2 = arith.constant 0 : index
    %get3A_3 = arith.constant 0 : index
    %get3A_4 = vector.load %arg2[%get3A_2, %get3A_3] : memref<5000x128xf32, #tpu.memory_space<vmem>>, vector<5000x128xf32>
    %add3A = arith.addf %get3A_1, %get3A_4 : vector<5000x128xf32>
    %swap3A = arith.constant 0 : index
    %swap3A_5 = arith.constant 0 : index
    %swap3A_6 = vector.load %arg3[%swap3A, %swap3A_5] : memref<5000x128xf32, #tpu.memory_space<vmem>>, vector<5000x128xf32>
    tpu.vector_store %arg3[%swap3A, %swap3A_5], %add3A {strides = array<i32>} : memref<5000x128xf32, #tpu.memory_space<vmem>>, vector<5000x128xf32>,
    return
  }
  func.func @transform_0(%arg0: i32) -> (i32, i32) {
    %c0_i32 = arith.constant 0 : i32
    %c0_i32_0 = arith.constant 0 : i32
    return %arg0, %c0_i32 : i32, i32
  }
  func.func @transform_1(%arg0: i32) -> (i32, i32) {
    %add3A = arith.constant 2 : i32
    %add3A_0 = arith.addi %arg0, %add3A : i32
    %c0_i32 = arith.constant 0 : i32
    %c0_i32_1 = arith.constant 0 : i32
    return %add3A_0, %c0_i32 : i32, i32
  }
  func.func @transform_2(%arg0: i32) -> (i32, i32) {
    %c0_i32 = arith.constant 0 : i32
    %c0_i32_0 = arith.constant 0 : i32
    return %arg0, %c0_i32 : i32, i32
  }
}

</mosaic_0001>

<sc_bundles>
// kernel: kernel.5.cloned.1.call-start
scs
__scs_entry_jumppad:
0x0: {  	(pc) =	sbr.rel $0x88, $3  }
0x1: {  	(tag) =	ssettag $0x0;
	lr =	simm.s32 $0x1  }
0x2: {  	[smem:$0x3F9A] =	sst lr;
	_ =	strace $0xD0000000  }
0x3: {  	_ = 	snop  }
0x4: {  	_ = 	snop  }
0x5: {  	_ = 	snop  }
0x6: {  	_ = 	snop  }
0x7: {  	_ = 	snop  }
__scs_overlays_trampoline_lowered:
0x8: {  	[smem:$0x3FA9] =	sst s0  }
0x9: {  	[smem:$0x3FAA] =	sst s1  }
0xa: {  	[smem:$0x3FAB] =	sst s2  }
0xb: {  	[smem:$0x3FAC] =	sst s3  }
0xc: {  	[smem:$0x3FAD] =	sst s4  }
0xd: {  	[smem:$0x3FAE] =	sst s5  }
0xe: {  	[smem:$0x3FAF] =	sst s6  }
0xf: {  	[smem:$0x3FB0] =	sst s7  }
0x10: {  	[smem:$0x3FB1] =	sst s8  }
0x11: {  	[smem:$0x3FB2] =	sst s9;
	s0 =	simm.s32 @!p0 $0x0  }
0x12: {  	s1 =	sld [smem:$0x3F98];
	s0 =	simm.s32 @p0 $0x1  }
0x13: {  	[smem:$0x3FB3] =	sst s0;
	s0 =	simm.s32 @!p1 $0x0  }
0x14: {  	s2 =	sld [smem:$0x3F97];
	s0 =	simm.s32 @p1 $0x1  }
0x15: {  	[smem:$0x3FB4] =	sst s0;
	s0 =	simm.s32 @!p2 $0x0  }
0x16: {  	s3 =	sld [smem:$0x3FDB];
	s0 =	simm.s32 @p2 $0x1  }
0x17: {  	s4 =	simm.s32 $0x1BF5;
	[smem:$0x3FB6] =	sst s0  }
0x18: {  	s0 =	sld [smem:$0x3F99];
	_ =	swait.ge [sflag:s4], $0x0  }
0x19: {  	s7 =	sld [smem:$0x3F9A]  }
0x1a: {  	s8 =	sadd.s32 $0xFFFFE003, lr  }
0x1b: {  	s9 =	sadd.s32 $0xFFFFFEF7, lr;
	s5 =	simm.s32 $0xFFFFFFFF;
	p2 =	slt.u32 s8, $0xFFFFF086  }
0x1c: {  	p1 =	slt.u32 s9, $0xF7A;
	s5 =	simm.s32 @!p2 $0x0  }
0x1d: {  	s5 =	simm.s32 @p1 $0x1;
	p0 =	seq.s32 s7, s2  }
0x1e: {  	s7 =	smul.u32 @!p0 $0xF7A, s2;
	p2 =	seq.s32 @!p0 s5, $0x0  }
0x1f: {  	s9 =	smul.u32 $0xF7A, s1;
	s8 =	simm.s32 @!p0 $0x1BF5;
	p2 =	por !p2, p0  }
0x20: {  	[sflag:s8] =	ssyncset.s32 @!p0 $0xFFFFF086;
	s6 =	sadd.s32 @!p0 s3, s7;
	s7 =	simm.s32 @!p0 $0x108  }
0x21: {  	s3 =	sadd.s32 s3, s9;
	s6 =	sadd.s32 @!p0 $0x88, s6;
	s7 =	simm.s32 @p2 $0x1082  }
0x22: {  	[simem:s7], [sflag:s8] =	dma.local @!p0 [hbm:s6], $0xF7A  }
0x23: {  	s9 =	sor.u32 $0xD0000000, s2;
	s6 =	simm.s32 $0x108;
	_ =	swait.ge @!p0 [sflag:s8], $0x0  }
0x24: {  	s3 =	sadd.s32 $0x88, s3;
	s6 =	simm.s32 @!p1 $0x1082;
	[sflag:s4] =	ssyncset.s32 $0xFFFFF086  }
0x25: {  	[simem:s6], [sflag:s4] =	dma.local [hbm:s3], $0xF7A  }
0x26: {  	[smem:$0x3F9A] =	sst s1;
	(tag) =	ssettag s2;
	_ =	strace s9  }
0x27: {  	s1 =	sld [smem:$0x3FAA]  }
0x28: {  	s2 =	sld [smem:$0x3FAB]  }
0x29: {  	s4 =	sld [smem:$0x3FAD]  }
0x2a: {  	p0 =	seq.s32 s5, $0x0;
	s5 =	sld [smem:$0x3FAE]  }
0x2b: {  	s6 =	sld [smem:$0x3FAF]  }
0x2c: {  	s7 =	sld [smem:$0x3FB0]  }
0x2d: {  	s3 =	simm.s32 $0x108;
	s8 =	sld [smem:$0x3FB1]  }
0x2e: {  	s3 =	simm.s32 @!p0 $0x1082;
	s9 =	sld [smem:$0x3FB2]  }
0x2f: {  	lr =	sadd.s32 s0, s3;
	s0 =	sld [smem:$0x3FA9]  }
0x30: {  	s3 =	sld [smem:$0x3FAC]  }
0x31: {  	[smem:$0x3FB5] =	sst s10  }
0x32: {  	s10 =	sld [smem:$0x3FB3];
	_ =	sdelay $0x3  }
0x33: {  	p0 =	seq.s32 s10, $0x1;
	s10 =	sld [smem:$0x3FB5];
	_ =	sdelay $0x3  }
0x34: {  	[smem:$0x3FB5] =	sst s10  }
0x35: {  	s10 =	sld [smem:$0x3FB4];
	_ =	sdelay $0x3  }
0x36: {  	p1 =	seq.s32 s10, $0x1;
	s10 =	sld [smem:$0x3FB5];
	_ =	sdelay $0x3  }
0x37: {  	[smem:$0x3FB5] =	sst s10  }
0x38: {  	s10 =	sld [smem:$0x3FB6]  }
0x39: {  	_ = 	snop;
	(pc) =	sbr.ind lr, $3  }
0x3a: {  	_ = 	snop  }
0x3b: {  	_ = 	snop  }
0x3c: {  	p2 =	seq.s32 s10, $0x1;
	s10 =	sld [smem:$0x3FB5]  }
0x3d: {  	_ =	shalt  }
0x3e: {  	_ =	shalt  }
0x3f: {  	_ =	shalt  }
0x40: {  	_ =	shalt  }
0x41: {  	_ =	shalt  }
0x42: {  	_ =	shalt  }
0x43: {  	_ =	shalt  }
0x44: {  	_ =	shalt  }
0x45: {  	_ =	shalt  }
0x46: {  	_ =	shalt  }
0x47: {  	_ =	shalt  }
0x48: {  	_ =	shalt  }
0x49: {  	_ =	shalt  }
0x4a: {  	_ =	shalt  }
0x4b: {  	_ =	shalt  }
0x4c: {  	_ =	shalt  }
0x4d: {  	_ =	shalt  }
0x4e: {  	_ =	shalt  }
0x4f: {  	_ =	shalt  }
0x50: {  	_ =	shalt  }
0x51: {  	_ =	shalt  }
0x52: {  	_ =	shalt  }
0x53: {  	_ =	shalt  }
0x54: {  	_ =	shalt  }
0x55: {  	_ =	shalt  }
0x56: {  	_ =	shalt  }
0x57: {  	_ =	shalt  }
0x58: {  	_ =	shalt  }
0x59: {  	_ =	shalt  }
0x5a: {  	_ =	shalt  }
0x5b: {  	_ =	shalt  }
0x5c: {  	_ =	shalt  }
0x5d: {  	_ =	shalt  }
0x5e: {  	_ =	shalt  }
0x5f: {  	_ =	shalt  }
0x60: {  	_ =	shalt  }
0x61: {  	_ =	shalt  }
0x62: {  	_ =	shalt  }
0x63: {  	_ =	shalt  }
0x64: {  	_ =	shalt  }
0x65: {  	_ =	shalt  }
0x66: {  	_ =	shalt  }
0x67: {  	_ =	shalt  }
0x68: {  	_ =	shalt  }
0x69: {  	_ =	shalt  }
0x6a: {  	_ =	shalt  }
0x6b: {  	_ =	shalt  }
0x6c: {  	_ =	shalt  }
0x6d: {  	_ =	shalt  }
0x6e: {  	_ =	shalt  }
0x6f: {  	_ =	shalt  }
0x70: {  	_ =	shalt  }
0x71: {  	_ =	shalt  }
0x72: {  	_ =	shalt  }
0x73: {  	_ =	shalt  }
0x74: {  	_ =	shalt  }
0x75: {  	_ =	shalt  }
0x76: {  	_ =	shalt  }
0x77: {  	_ =	shalt  }
0x78: {  	_ =	shalt  }
0x79: {  	_ =	shalt  }
0x7a: {  	_ =	shalt  }
0x7b: {  	_ =	shalt  }
0x7c: {  	_ =	shalt  }
0x7d: {  	_ =	shalt  }
0x7e: {  	_ =	shalt  }
0x7f: {  	_ =	shalt  }
0x80: {  	_ =	shalt  }
0x81: {  	_ =	shalt  }
0x82: {  	_ =	shalt  }
0x83: {  	_ =	shalt  }
0x84: {  	_ =	shalt  }
0x85: {  	_ =	shalt  }
0x86: {  	_ =	shalt  }
0x87: {  	_ =	shalt  }
.Lfunc_end0:
.L_simem_size_0:
called_computation_lowered:
.L_overlay_start_0:
0x88: {  	s2 =	sld [smem:$0x3FD9]  }
0x89: {  	s3 =	sld [smem:$0x3FFE];
	_ =	sdelay $0x1  }
0x8a: {  	s1 =	srdreg.scid  }
0x8b: {  	s0 =	sand.u32 $0x1, s1  }
0x8c: {  	s17 =	sshll.u32 s0, $0xA;
	s2 =	sadd.s32 s3, s2  }
0x8d: {  	s2 =	sadd.s32 s2, s17  }
0x8e: {  	[smem:$0x3FC1] =	sst s2  }
0x8f: {  	_ = 	snop  }
0x90: {  	s2 =	sld [smem:$0x3FD0];
	(tm) =	ssettm $0x1  }
0x91: {  	s18 =	sld [smem:$0x3FFB];
	_ =	sdelay $0x3  }
0x92: {  	_ =	strace s18  }
0x93: {  	s3 =	sld [smem:$0x3FFC];
	_ =	sdelay $0x3  }
0x94: {  	_ =	strace s3  }
0x95: {  	s3 =	sld [smem:$0x3FFD];
	_ =	sdelay $0x3  }
0x96: {  	_ =	strace s3  }
0x97: {  	_ =	strace $0x8FFFFFFF  }
0x98: {  	s19 =	sld [smem:$0x3FDB];
	_ =	sdelay $0x1  }
0x99: {  	s4 =	simm.s32 $_scs_section_size  }
0x9a: {  	s5 =	simm.s32 $_size__tile_overlayer_lowered;
	s6 =	simm.s32 $_tile_overlayer_lowered  }
0x9b: {  	s22 =	simm.s32 $0x1BFF;
	s21 =	sshll.u32 s6, $0x1;
	s3 =	sadd.s32 s4, s19  }
0x9c: {  	s7 =	simm.s32 $0x0;
	s20 =	sshll.u32 s5, $0x1;
	s5 =	sadd.s32 s21, s3  }
0x9d: {  	[timem:s7], [sflag:s22] =	dma.local [hbm:s5], s20  }
0x9e: {  	_ =	swait.ge [sflag:s22], s20  }
0x9f: {  	s4 =	ssub.s32 $0x0, s20;
	[sflag:s22] =	ssyncset.done $0x0  }
0xa0: {  	[sflag:s22] =	ssyncadd.s32 s4;
	_ =	sdelay $0x1  }
0xa1: {  	s23 =	simm.s32 $0x1B8B  }
0xa2: {  	_ =	swait.ge [sflag:s23], $0x1  }
0xa3: {  	[sflag:s23] =	ssyncset.done $0x0  }
0xa4: {  	s25 =	simm.s32 $0x1B8E;
	s24 =	sld [smem:$0x3FFE];
	[sflag:s23] =	ssyncadd.s32 $0xFFFFFFFF  }
0xa5: {  	s26 =	simm.s32 $execute0_lowered;
	[smem:$0x3FD2] =	sst s25  }
0xa6: {  	s5 =	sshll.u32 s26, $0x1;
	_ =	strace $0x80000046;
	[dreg:$0x1] =	wrdreg $0xFFFFFFFF  }
0xa7: {  	s28 =	simm.s32 $_size_execute0_lowered;
	s3 =	sadd.s32 s3, s5;
	[dreg:$0x0] =	wrdreg $0x0  }
0xa8: {  	s5 =	sshll.u32 s28, $0x1;
	[dreg:$0x2] =	wrdreg s3  }
0xa9: {  	[dreg:$0x3] =	wrdreg s5  }
0xaa: {  	[dreg:$0x4] =	wrdreg $0xC0  }
0xab: {  	_ =	task [dreg:s7], $0x5FFFF  }
0xac: {  	[dreg:$0x1] =	wrdreg $0xFFFFFFFF  }
0xad: {  	[dreg:$0x0] =	wrdreg $0x60  }
0xae: {  	[dreg:$0x2] =	wrdreg s24  }
0xaf: {  	[dreg:$0x3] =	wrdreg s2  }
0xb0: {  	[dreg:$0x4] =	wrdreg $0xB1000  }
0xb1: {  	[dreg:$0x5] =	wrdreg $0x9  }
0xb2: {  	_ =	task.clear_ibuf [dreg:s7], $0x6FFFF;
	_ =	strace $0x90000046  }
0xb3: {  	s29 =	simm.s32 $0x9;
	_ =	strace $0x80000048  }
0xb4: {  	_ =	swait.ge [sflag:s29], $0x1  }
0xb5: {  	[sflag:s29] =	ssyncadd.s32 $0xFFFFFFFF  }
0xb6: {  	_ =	strace $0x90000048  }
0xb7: {  	_ =	sfence  }
0xb8: {  	s30 =	sld [smem:$0x0];
	_ =	sdelay $0x2  }
0xb9: {  	s31 =	sshll.u32 s1, $0xD;
	s1 =	sshrl.u32 s1, $0x2  }
0xba: {  	s3 =	sand.u32 $0x4000, s31;
	s1 =	sadd.s32 s1, s30  }
0xbb: {  	s0 =	sor.u32 s3, s0;
	s1 =	sshll.u32 s1, $0x11  }
0xbc: {  	s0 =	sor.u32 s1, s0  }
0xbd: {  	s0 =	sadd.s32 $0x8F2B, s0  }
0xbe: {  	[sflag:s0] =	ssyncadd.remote.s32 $0x1  }
0xbf: {  	_ =	sfence.sel $0xFFFF  }
0xc0: {  	[dreg:$0x0] =	wrdreg $0xFFFFFFFF;
	(pc) =	sbr.abs _section_cstart, $3  }
0xc1: {  	[dreg:$0x1] =	wrdreg $0xFFFFFFFF  }
0xc2: {  	_ =	task.clear_ibuf [dreg:s7], $0x2FFFF;
	_ =	strace $0x9FFFFFFF  }
0xc3: {  	(tm) =	ssettm $0x7FFFFFFF  }
tec
execute0_lowered:
.L_overlay_start_1:
0x0: {  	(tag) =	ssettag $0x1  }
0x1: {  	s0 =	srdreg.scid  }
0x2: {  	s1 =	rddreg [dreg:$0x0];
	s14 =	stileid.u32  }
0x3: {  	s6 =	rddreg [dreg:$0x1];
	s28 =	simm.s32 $0x2800;
	s29 =	simm.s32 $0x3  }
0x4: {  	s30 =	simm.s32 $0x2;
	s31 =	simm.s32 $0x4;
	s11 =	smul.u32 $0x4E000, s14  }
0x5: {  	s0 =	sand.u32 $0x1, s0;
	s5 =	sadd.s32 $0xE00, s1;
	s19 =	smul.u32 $0x2700, s14  }
0x6: {  	s9 =	sadd.s32 $0x14D200, s1;
	s22 =	smul.u32 $0x2710, s14;
	s26 =	sshll.u32 s14, $0x6  }
0x7: {  	p1 =	sne.s32 s14, $0xF;
	s2 =	sshll.u32 s0, $0x4;
	s12 =	smul.u32 $0x27100, s0  }
0x8: {  	s18 =	ssub.s32 $0x2, s0;
	p0 =	seq.s32 s0, $0x1;
	s0 =	smul.u32 $0x138800, s0  }
0x9: {  	s3 =	sor.u32 s14, s2;
	s2 =	rddreg [dreg:$0x2];
	s10 =	sshrl.u32 s18, $0x1  }
0xa: {  	s20 =	sshrl.u32 s11, $0x2;
	s21 =	sadd.s32 s6, s19;
	s4 =	smul.u32 $0x2710, s3  }
0xb: {  	s6 =	sadd.s32 $0x27000, s6;
	s3 =	simm.s32 $0x0;
	s0 =	sshrl.u32 s0, $0x3  }
0xc: {  	s24 =	sadd.s32 s19, s12;
	[smem:$0x7FF] =	sst s3;
	s7 =	sshrl.u32 s4, $0x3  }
0xd: {  	_ =	strace $0x80000047;
	s4 =	sadd.s32 $0xAC00, s1;
	[dreg:$0x4] =	wrdreg s9  }
0xe: {  	s9 =	ssub.s32 s18, s10;
	s10 =	sadd.s32 s20, s2;
	[dreg:$0x7] =	wrdreg s21  }
0xf: {  	[dreg:$0x8] =	wrdreg s6;
	s20 =	sor.u32 $0x1C05, s26;
	s21 =	simm.s32 $0x5  }
0x10: {  	s26 =	simm.s32 $0x6880;
	s8 =	sadd.s32 s7, s1;
	s1 =	sadd.s32 $0x14FA00, s1  }
0x11: {  	[dreg:$0x6] =	wrdreg s10;
	s10 =	sadd.s32 $0x138000, s2;
	s11 =	sadd.s32 s5, s7  }
0x12: {  	s7 =	sadd.s32 s22, s12;
	s16 =	smax.u32 s9, $0x1;
	s22 =	simm.s32 $0x1  }
0x13: {  	s12 =	simm.s32 $0x10;
	s9 =	simm.s32 $0x0;
	s8 =	sadd.s32 $0x143400, s8  }
0x14: {  	s23 =	sadd.s32 $0x4E0, s11;
	s0 =	sadd.s32 s1, s0;
	s1 =	sadd.s32 s1, s24  }
0x15: {  	s25 =	sadd.s32 $0x80, s7;
	s17 =	sadd.s32 $0x4D0, s11;
	[dreg:$0x5] =	wrdreg s8  }
0x16: {  	s13 =	sadd.s32 $0x100, s7;
	s24 =	simm.s32 $0x2780;
	[dreg:$0x9] =	wrdreg s23  }
0x17: {  	[dreg:$0xa] =	wrdreg s1;
	s0 =	sadd.s32 $0x27000, s0;
	s23 =	simm.s32 $0x2880  }
0x18: {  	s1 =	simm.s32 $0xA900;
	[dreg:$0xb] =	wrdreg s0;
	s0 =	sshrl.u32 s25, $0x3  }
0x19: {  	s25 =	simm.s32 $0x80;
	s18 =	sadd.s32 s0, s5;
	s0 =	simm.s32 $0xA880  }
.LBB2_1:
.Ltmp0:
0x1a: {  	(pc) =	sbr.rel @!p0 .LBB2_2-.Ltmp0, $4  }
0x1b: {  	s6 =	rddreg [dreg:$0x5]  }
0x1c: {  	s19 =	rddreg [dreg:$0x6]  }
0x1d: {  	[tilespmem:s3], [sflag:$0x1] =	stream.linear.gather [hbm4b:s6+s3], $0x2710, $0x38;
	[tilespmem:$0x1E980] =	vst v63  }
0x1e: {  	s6 =	sshrl.u32 s19, $0x3  }
.Ltmp1:
0x1f: {  	s7 =	rddreg [dreg:$0x4];
	(pc) =	sbr.rel @p1 .LBB2_7-.Ltmp1, $4  }
0x20: {  	[spmem:s6], [sflag:s20] =	dma.local [hbm:s7], $0x2700  }
0x21: {  	_ =	swait.ge [sflag:s21], $0x2700  }
0x22: {  	[sflag:s21] =	ssyncset.done $0x0  }
0x23: {  	[sflag:s21] =	ssyncadd.s32 $0xFFFFD900  }
.Ltmp2:
0x24: {  	(pc) =	sbr.rel .LBB2_6-.Ltmp2, $3  }
0x25: {  	_ =	sdelay $0x1  }
0x26: {  	s7 =	sshrl.u32 s10, $0x3;
	s8 =	rddreg [dreg:$0x4]  }
0x27: {  	[spmem:s7], [sflag:s20] =	dma.local [hbm:s8], $0x100  }
.LBB2_2:
.Ltmp3:
0x28: {  	s7 =	rddreg [dreg:$0x7];
	(pc) =	sbr.rel @p1 .LBB2_7-.Ltmp3, $4  }
0x29: {  	[spmem:s6], [sflag:s20] =	dma.local [hbm:s7], $0x2700  }
0x2a: {  	_ =	swait.ge [sflag:s21], $0x2700  }
0x2b: {  	[sflag:s21] =	ssyncset.done $0x0  }
0x2c: {  	[sflag:s21] =	ssyncadd.s32 $0xFFFFD900  }
0x2d: {  	s7 =	sshrl.u32 s10, $0x3;
	s8 =	rddreg [dreg:$0x8]  }
0x2e: {  	[spmem:s7], [sflag:s20] =	dma.local [hbm:s8], $0x100  }
.LBB2_6:
0x2f: {  	_ =	swait.ge [sflag:s21], $0x100  }
0x30: {  	[sflag:s21] =	ssyncset.done $0x0  }
0x31: {  	[sflag:s21] =	ssyncadd.s32 $0xFFFFFF00  }
.LBB2_7:
0x32: {  	_ =	swait.ge [sflag:s22], $0x2710  }
0x33: {  	[sflag:s22] =	ssyncset.done $0x0  }
0x34: {  	s7 =	simm.s32 $0x80;
	s8 =	simm.s32 $0x0;
	[sflag:s22] =	ssyncadd.s32 $0xFFFFD8F0  }
0x35: {  	[tilespmem:s23], [sflag:$0x1] =	stream.indirect.gather [hbm4b:s4+s7], $0x80, s8, s7, $0xb8;
	[tilespmem:$0x1E980] =	vst v63  }
0x36: {  	_ = 	snop  }
0x37: {  	[tilespmem:s24], [sflag:$0x3] =	stream.linear.gather [hbm4b:s11+s8], $0x80, $0x38;
	[tilespmem:$0x1E980] =	vst v63  }
0x38: {  	[bflag:$0x0] =	sbarrier.arrive $0xFFFF  }
0x39: {  	[tilespmem:s26], [sflag:$0x2] =	stream.indirect.gather [hbm4b:s4+s25], $0x80, s7, s25, $0xb8;
	[tilespmem:$0x1E980] =	vst v63  }
0x3a: {  	s14 =	sadd.s32 $0x0, s18  }
0x3b: {  	[tilespmem:s28], [sflag:$0x4] =	stream.linear.gather [hbm4b:s14+s3], $0x80, $0x38;
	[tilespmem:$0x1E980] =	vst v63  }
0x3c: {  	_ =	swait.ge [sflag:s22], $0x4000  }
0x3d: {  	[sflag:s22] =	ssyncset.done $0x0  }
0x3e: {  	[sflag:s22] =	ssyncadd.s32 $0xFFFFC000  }
0x3f: {  	_ =	swait.ge [sflag:s29], $0x80  }
0x40: {  	[sflag:s29] =	ssyncset.done $0x0  }
0x41: {  	[sflag:s29] =	ssyncadd.s32 $0xFFFFFF80  }
0x42: {  	[spmem:s2] =	stream.indirect.scatter.add.f32 [tilespmem:s23], [sflag:$0x5], $0x80, s24, s25, $0xb8;
	[tilespmem:$0x1E980] =	vst v63  }
0x43: {  	_ =	swait.ge [sflag:s21], $0x4000  }
0x44: {  	[sflag:s21] =	ssyncset.done $0x0  }
0x45: {  	s15 =	simm.s32 $0x100;
	s19 =	sshrl.u32 s13, $0x3;
	[sflag:s21] =	ssyncadd.s32 $0xFFFFC000  }
0x46: {  	[tilespmem:s23], [sflag:$0x1] =	stream.indirect.gather [hbm4b:s4+s25], $0x80, s15, s25, $0xb8;
	[tilespmem:$0x1E980] =	vst v63  }
0x47: {  	s19 =	sadd.s32 s5, s19  }
0x48: {  	[tilespmem:s24], [sflag:$0x3] =	stream.linear.gather [hbm4b:s19+s3], $0x80, $0x38;
	[tilespmem:$0x1E980] =	vst v63  }
0x49: {  	_ =	swait.ge [sflag:s30], $0x4000  }
0x4a: {  	[sflag:s30] =	ssyncset.done $0x0  }
0x4b: {  	[sflag:s30] =	ssyncadd.s32 $0xFFFFC000  }
0x4c: {  	_ =	swait.ge [sflag:s31], $0x80  }
0x4d: {  	[sflag:s31] =	ssyncset.done $0x0  }
0x4e: {  	[sflag:s31] =	ssyncadd.s32 $0xFFFFFF80  }
0x4f: {  	[spmem:s2] =	stream.indirect.scatter.add.f32 [tilespmem:s26], [sflag:$0x5], $0x80, s28, s25, $0xb8;
	[tilespmem:$0x1E980] =	vst v63  }
0x50: {  	_ =	swait.ge [sflag:s21], $0x4000  }
0x51: {  	s8 =	simm.s32 $0x20;
	s19 =	smov.u32 s13;
	[sflag:s21] =	ssyncset.done $0x0  }
.LBB2_8:
0x52: {  	[sflag:s21] =	ssyncadd.s32 $0xFFFFC000;
	s7 =	sadd.s32 $0x100, s7;
	s19 =	sadd.s32 $0x100, s19  }
0x53: {  	[tilespmem:s26], [sflag:$0x2] =	stream.indirect.gather [hbm4b:s4+s25], $0x80, s7, s25, $0xb8;
	[tilespmem:$0x1E980] =	vst v63  }
0x54: {  	s14 =	sadd.s32 s8, s18;
	p2 =	sne.s32 s8, $0x4A0;
	s8 =	sadd.s32 $0x20, s8  }
0x55: {  	[tilespmem:s28], [sflag:$0x4] =	stream.linear.gather [hbm4b:s14+s3], $0x80, $0x38;
	[tilespmem:$0x1E980] =	vst v63  }
0x56: {  	_ =	swait.ge [sflag:s22], $0x4000  }
0x57: {  	[sflag:s22] =	ssyncset.done $0x0  }
0x58: {  	[sflag:s22] =	ssyncadd.s32 $0xFFFFC000  }
0x59: {  	_ =	swait.ge [sflag:s29], $0x80  }
0x5a: {  	[sflag:s29] =	ssyncset.done $0x0  }
0x5b: {  	[sflag:s29] =	ssyncadd.s32 $0xFFFFFF80  }
0x5c: {  	[spmem:s2] =	stream.indirect.scatter.add.f32 [tilespmem:s23], [sflag:$0x5], $0x80, s24, s25, $0xb8;
	[tilespmem:$0x1E980] =	vst v63  }
0x5d: {  	_ =	swait.ge [sflag:s21], $0x4000  }
0x5e: {  	[sflag:s21] =	ssyncset.done $0x0  }
0x5f: {  	s15 =	sshrl.u32 s19, $0x3;
	s14 =	sadd.s32 $0x80, s7;
	[sflag:s21] =	ssyncadd.s32 $0xFFFFC000  }
0x60: {  	[tilespmem:s23], [sflag:$0x1] =	stream.indirect.gather [hbm4b:s4+s25], $0x80, s14, s25, $0xb8;
	[tilespmem:$0x1E980] =	vst v63  }
0x61: {  	s14 =	sadd.s32 s5, s15  }
0x62: {  	[tilespmem:s24], [sflag:$0x3] =	stream.linear.gather [hbm4b:s14+s3], $0x80, $0x38;
	[tilespmem:$0x1E980] =	vst v63  }
0x63: {  	_ =	swait.ge [sflag:s30], $0x4000  }
0x64: {  	[sflag:s30] =	ssyncset.done $0x0  }
0x65: {  	[sflag:s30] =	ssyncadd.s32 $0xFFFFC000  }
0x66: {  	_ =	swait.ge [sflag:s31], $0x80  }
.Ltmp4:
0x67: {  	[sflag:s31] =	ssyncset.done $0x0;
	(pc) =	sbr.rel @p2 .LBB2_8-.Ltmp4, $4  }
0x68: {  	[sflag:s31] =	ssyncadd.s32 $0xFFFFFF80  }
0x69: {  	[spmem:s2] =	stream.indirect.scatter.add.f32 [tilespmem:s26], [sflag:$0x5], $0x80, s28, s25, $0xb8;
	[tilespmem:$0x1E980] =	vst v63  }
0x6a: {  	_ =	swait.ge [sflag:s21], $0x4000  }
0x6b: {  	[sflag:s21] =	ssyncset.done $0x0  }
0x6c: {  	[sflag:s21] =	ssyncadd.s32 $0xFFFFC000;
	s7 =	simm.s32 $0x2680  }
0x6d: {  	[tilespmem:s26], [sflag:$0x2] =	stream.indirect.gather [hbm4b:s4+s25], $0x80, s7, s25, $0xb8;
	[tilespmem:$0x1E980] =	vst v63  }
0x6e: {  	_ = 	snop  }
0x6f: {  	[tilespmem:s28], [sflag:$0x4] =	stream.linear.gather [hbm4b:s17+s3], $0x80, $0x38;
	[tilespmem:$0x1E980] =	vst v63  }
0x70: {  	_ =	swait.ge [sflag:s22], $0x4000  }
0x71: {  	[sflag:s22] =	ssyncset.done $0x0  }
0x72: {  	[sflag:s22] =	ssyncadd.s32 $0xFFFFC000  }
0x73: {  	_ =	swait.ge [sflag:s29], $0x80  }
0x74: {  	[sflag:s29] =	ssyncset.done $0x0  }
0x75: {  	[sflag:s29] =	ssyncadd.s32 $0xFFFFFF80  }
0x76: {  	[spmem:s2] =	stream.indirect.scatter.add.f32 [tilespmem:s23], [sflag:$0x5], $0x80, s24, s25, $0xb8;
	[tilespmem:$0x1E980] =	vst v63  }
0x77: {  	_ =	swait.ge [sflag:s21], $0x4000  }
0x78: {  	[sflag:s21] =	ssyncset.done $0x0  }
0x79: {  	[sflag:s21] =	ssyncadd.s32 $0xFFFFC000  }
0x7a: {  	_ =	swait.ge [sflag:s30], $0x4000  }
0x7b: {  	[sflag:s30] =	ssyncset.done $0x0  }
0x7c: {  	[sflag:s30] =	ssyncadd.s32 $0xFFFFC000  }
0x7d: {  	_ =	swait.ge [sflag:s31], $0x80  }
0x7e: {  	[sflag:s31] =	ssyncset.done $0x0  }
0x7f: {  	[sflag:s31] =	ssyncadd.s32 $0xFFFFFF80  }
0x80: {  	[spmem:s2] =	stream.indirect.scatter.add.f32 [tilespmem:s26], [sflag:$0x5], $0x80, s28, s25, $0xb8;
	[tilespmem:$0x1E980] =	vst v63  }
0x81: {  	_ =	swait.ge [sflag:s21], $0x4000  }
0x82: {  	[sflag:s21] =	ssyncset.done $0x0  }
0x83: {  	s14 =	rddreg [dreg:$0x9];
	[sflag:s21] =	ssyncadd.s32 $0xFFFFC000  }
0x84: {  	[tilespmem:s0], [sflag:$0x3] =	stream.linear.gather [hbm4b:s14+s3], $0x10, $0x38;
	[tilespmem:$0x1E980] =	vst v63  }
0x85: {  	_ =	swait.ge [sflag:s29], $0x10  }
0x86: {  	[sflag:s29] =	ssyncset.done $0x0  }
0x87: {  	s15 =	simm.s32 $0x2700;
	[sflag:s29] =	ssyncadd.s32 $0xFFFFFFF0  }
0x88: {  	[tilespmem:s1], [sflag:$0x1] =	stream.indirect.gather [hbm4b:s4+s12], $0x80, s15, s12, $0xb8;
	[tilespmem:$0x1E980] =	vst v63  }
0x89: {  	_ =	swait.ge [sflag:s22], $0x800  }
0x8a: {  	[sflag:s22] =	ssyncset.done $0x0  }
0x8b: {  	[sflag:s22] =	ssyncadd.s32 $0xFFFFF800  }
0x8c: {  	[spmem:s2] =	stream.indirect.scatter.add.f32 [tilespmem:s1], [sflag:$0x5], $0x80, s0, s12, $0xb8;
	[tilespmem:$0x1E980] =	vst v63  }
0x8d: {  	_ =	swait.ge [sflag:s21], $0x800  }
0x8e: {  	[sflag:s21] =	ssyncset.done $0x0  }
0x8f: {  	[sflag:s21] =	ssyncadd.s32 $0xFFFFF800  }
0x90: {  	[bflag:$0x0] =	sbarrier.arrive $0xFFFF  }
0x91: {  	s19 =	rddreg [dreg:$0xa]  }
0x92: {  	[hbm:s19], [sflag:s20] =	dma.local [spmem:s6], $0x2700  }
0x93: {  	s9 =	sadd.s32 $0x1, s9;
	_ =	swait.ge [sflag:s21], $0x2700  }
0x94: {  	p2 =	sne.s32 s9, s16;
	[sflag:s21] =	ssyncset.done $0x0  }
0x95: {  	s6 =	sshrl.u32 @!p1 s10, $0x3;
	s7 =	rddreg [dreg:$0xb];
	[sflag:s21] =	ssyncadd.s32 $0xFFFFD900  }
0x96: {  	[hbm:s7], [sflag:s20] =	dma.local @!p1 [spmem:s6], $0x100  }
.Ltmp5:
0x97: {  	_ = 	snop;
	(pc) =	sbr.rel @p2 .LBB2_1-.Ltmp5, $4  }
0x98: {  	s6 =	simm.s32 @!p1 $0x5  }
0x99: {  	_ =	swait.ge @!p1 [sflag:s6], $0x100  }
0x9a: {  	[sflag:s6] =	ssyncset.done @!p1 $0x0  }
0x9b: {  	[sflag:s6] =	ssyncadd.s32 @!p1 $0xFFFFFF00  }
0x9c: {  	_ =	sfence.sel $0x180000  }
0x9d: {  	[bflag:$0x0] =	sbarrier.arrive $0xFFFF  }
0x9e: {  	_ =	strace $0x90000047  }
0x9f: {  	s0 =	stileid.u32;
	[bflag:$0x2] =	sbarrier.arrive $0xFFFF  }
0xa0: {  	p0 =	sne.s32 s0, $0x0;
	s0 =	rddreg [dreg:$0x3]  }
0xa1: {  	s0 =	sadd.s32 @!p0 $0x100000, s0  }
0xa2: {  	[sflag:s0] =	ssyncadd.tile.s32 @!p0 $0x1;
	_ =	shalt  }
.Lfunc_end2:
_tile_overlayer_lowered:
.L_overlay_start_2:
0xa3: {  	(tag) =	ssettag $0x2  }
0xa4: {  	s0 =	rddreg [dreg:$0x0];
	s2 =	stileid.u32  }
0xa5: {  	s1 =	rddreg [dreg:$0x1];
	p0 =	sne.s32 s2, $0x0  }
0xa6: {  	s3 =	rddreg [dreg:$0x2];
	[bflag:$0x3] =	sbarrier.arrive $0xFFFF;
	s2 =	simm.s32 @!p0 $0x1C05  }
0xa7: {  	[timem:s3], [sflag:s2] =	dma.local @!p0 [hbm:s0], s1  }
0xa8: {  	s0 =	simm.s32 @!p0 $0x5  }
0xa9: {  	_ =	swait.ge @!p0 [sflag:s0], s1  }
0xaa: {  	s1 =	ssub.s32 @!p0 $0x0, s1;
	[sflag:s0] =	ssyncset.done @!p0 $0x0  }
0xab: {  	[sflag:s0] =	ssyncadd.s32 @!p0 s1  }
0xac: {  	[bflag:$0x3] =	sbarrier.arrive $0xFFFF  }
0xad: {  	_ =	shalt  }

</sc_bundles>
